<compile_context>
chip_gen: v7x
topology: tpu7x:2x2x1
jax: 0.10.2.dev20260603
libtpu: 0.0.44.dev20260713+nightly
codegen_flags: <defaults>
</compile_context>

<pallas_src>
import functools

import jax
import jax.numpy as jnp
from jax import lax
from jax.experimental import pallas as pl
from jax.experimental.pallas import tpu as pltpu
from jax.experimental.pallas import tpu_sc as plsc

_N = 10000
_C = 128
_E = 320000
_NC = 2
_NS = 16
_NW = _NC * _NS
_CHUNK = 64
_NCHUNK = 2 * (-(-(_E // _NW) // (2 * _CHUNK)))
_EPW = _NCHUNK * _CHUNK
_EPAD = _EPW * _NW
_EARR = _EPAD + _CHUNK
_NP = 10240
_RPT = _NP // _NS
_RCP = 128
_NCOPY = _RPT // _RCP


def _prep_body(x_ref, emb_ref, Wt_ref, ati_ref, atei_ref, atj_ref, atej_ref,
               xl_ref, ai_ref, aj_ref, ajm_ref, ws_ref):
    dn = (((1,), (0,)), ((), ()))
    xl = lax.dot_general(x_ref[...], Wt_ref[...], dn,
                         preferred_element_type=jnp.float32)
    xl_ref[...] = xl
    emb = emb_ref[...]
    ai = (lax.dot_general(xl, ati_ref[...], dn, preferred_element_type=jnp.float32)
          + lax.dot_general(emb, atei_ref[...], dn, preferred_element_type=jnp.float32))
    aj = (lax.dot_general(xl, atj_ref[...], dn, preferred_element_type=jnp.float32)
          + lax.dot_general(emb, atej_ref[...], dn, preferred_element_type=jnp.float32))
    ajmax = jnp.max(aj)
    cb = ai + ajmax
    cb = jnp.maximum(cb, 0.2 * cb)
    sl = ai + aj
    sl = jnp.maximum(sl, 0.2 * sl)
    ai_ref[...] = ai
    aj_ref[...] = aj
    ajm_ref[...] = jnp.full((8, 16), ajmax, jnp.float32)
    ws_ref[...] = jnp.exp(sl - cb)


def _prep(x, emb, Wt, ati, atei, atj, atej):
    return pl.pallas_call(
        _prep_body,
        out_shape=[
            jax.ShapeDtypeStruct((_N, _C), jnp.float32),
            jax.ShapeDtypeStruct((_N, 1), jnp.float32),
            jax.ShapeDtypeStruct((_N, 1), jnp.float32),
            jax.ShapeDtypeStruct((8, 16), jnp.float32),
            jax.ShapeDtypeStruct((_N, 1), jnp.float32),
        ],
    )(x, emb, Wt, ati, atei, atj, atej)


def _sc_edge(src, dst, ai, aj, ajm, xl):
    mesh = plsc.VectorSubcoreMesh(core_axis_name="c", subcore_axis_name="s")

    @functools.partial(
        pl.kernel,
        mesh=mesh,
        compiler_params=pltpu.CompilerParams(needs_layout_passes=False),
        out_type=[
            jax.ShapeDtypeStruct((_NC * _NP, _C), jnp.float32),
            jax.ShapeDtypeStruct((_NW * _N,), jnp.float32),
        ],
        scratch_types=[
            pltpu.VMEM((_N,), jnp.float32),
            pltpu.VMEM((_N,), jnp.float32),
            pltpu.VMEM((16,), jnp.float32),
            pltpu.VMEM((_N,), jnp.float32),
            pltpu.VMEM((_CHUNK,), jnp.int32),
            pltpu.VMEM((_CHUNK,), jnp.int32),
            pltpu.VMEM((_CHUNK,), jnp.int32),
            pltpu.VMEM((_CHUNK,), jnp.int32),
            pltpu.VMEM((_CHUNK,), jnp.float32),
            pltpu.VMEM((_CHUNK,), jnp.float32),
            pltpu.VMEM((_CHUNK, _C), jnp.float32),
            pltpu.VMEM((_CHUNK, _C), jnp.float32),
            pltpu.VMEM_SHARED((_NP, _C), jnp.float32),
            pltpu.SemaphoreType.DMA,
            pltpu.SemaphoreType.DMA,
            pltpu.SemaphoreType.DMA,
            pltpu.SemaphoreType.DMA,
        ],
    )
    def body(src_h, dst_h, ai_h, aj_h, ajm_h, xl_h, out_h, den_h,
             ai_v, aj_v, ajm_v, den_v, sidx0, sidx1, didx0, didx1,
             w0, w1, rows0, rows1, acc, sg0, sg1, se0, se1):
        sidx = [sidx0, sidx1]
        didx = [didx0, didx1]
        w_v = [w0, w1]
        rows = [rows0, rows1]
        sg = [sg0, sg1]
        se = [se0, se1]
        cid = lax.axis_index("c")
        sid = lax.axis_index("s")
        wid = sid * _NC + cid
        pltpu.sync_copy(ai_h, ai_v)
        pltpu.sync_copy(aj_h, aj_v)
        pltpu.sync_copy(ajm_h, ajm_v)

        zero16 = jnp.zeros((16,), jnp.float32)

        def zden(i, carry):
            den_v[pl.ds(i * 16, 16)] = zero16
            return carry
        lax.fori_loop(0, _N // 16, zden, 0)

        def zrow(e, carry):
            for k in range(_C // 16):
                rows0[e, pl.ds(k * 16, 16)] = zero16
                rows1[e, pl.ds(k * 16, 16)] = zero16
            return carry
        lax.fori_loop(0, _CHUNK, zrow, 0)
        for g in range(_CHUNK // 16):
            didx1[pl.ds(g * 16, 16)] = jnp.zeros((16,), jnp.int32)

        rbase = sid * _RPT
        for j in range(_NCOPY):
            pltpu.sync_copy(rows0.at[pl.ds(0, _RCP)],
                            acc.at[pl.ds(rbase + j * _RCP, _RCP)])
        plsc.subcore_barrier()

        ebase = wid * _EPW
        ajm16 = ajm_v[...]

        def load_idx(ic, b):
            base = ebase + ic * _CHUNK
            c1 = pltpu.async_copy(src_h.at[pl.ds(base, _CHUNK)], sidx[b], sg[b])
            c2 = pltpu.async_copy(dst_h.at[pl.ds(base, _CHUNK)], didx[b], sg[b])
            c1.wait()
            c2.wait()

        def scalar_phase(b, f):
            for j in range(_CHUNK // 16):
                s16 = sidx[b][pl.ds(j * 16, 16)]
                d16 = didx[b][pl.ds(j * 16, 16)]
                vs = plsc.load_gather(aj_v, [s16])
                ud = plsc.load_gather(ai_v, [d16])
                am = ud + ajm16
                cd = jnp.maximum(am, 0.2 * am)
                al = ud + vs
                lr = jnp.maximum(al, 0.2 * al)
                w = jnp.where(s16 != d16, jnp.exp(lr - cd), 0.0)
                w_v[b][pl.ds(j * 16, 16)] = w
                plsc.addupdate_scatter(den_v, [d16], w * f)

        def scale_rows(b):
            def sc_body(e, carry):
                we = plsc.load_gather(w_v[b], [jnp.full((16,), e, jnp.int32)])
                for k in range(_C // 16):
                    rows[b][e, pl.ds(k * 16, 16)] = (
                        rows[b][e, pl.ds(k * 16, 16)] * we)
                return carry
            lax.fori_loop(0, _CHUNK, sc_body, 0, unroll=4)

        load_idx(0, 0)
        scalar_phase(0, jnp.float32(1.0))

        def pair(g, carry):
            for b in range(2):
                ic = 2 * g + b
                nb = 1 - b
                load_idx(ic + 1, nb)
                f = jnp.where(ic + 1 < _NCHUNK, jnp.float32(1.0),
                              jnp.float32(0.0))
                scalar_phase(nb, f)
            return carry
        lax.fori_loop(0, _NCHUNK // 2, pair, 0)

        plsc.subcore_barrier()
        for j in range(_NCOPY):
            pltpu.sync_copy(acc.at[pl.ds(rbase + j * _RCP, _RCP)],
                            out_h.at[pl.ds(cid * _NP + rbase + j * _RCP, _RCP)])
        pltpu.sync_copy(den_v, den_h.at[pl.ds(wid * _N, _N)])

    return body(src, dst, ai, aj, ajm, xl)


def _fin_body(p_ref, dpT_ref, ws_ref, xl_ref, b_ref, g_ref, be_ref, o_ref):
    num = p_ref[0] + p_ref[1] + ws_ref[...] * xl_ref[...]
    ones = jnp.ones((_NW, 1), jnp.float32)
    den = lax.dot_general(dpT_ref[...], ones, (((1,), (0,)), ((), ())),
                          preferred_element_type=jnp.float32)
    den = den + ws_ref[...] + 1e-16
    out = num / den + b_ref[...]
    mu = jnp.mean(out, axis=0, keepdims=True)
    var = jnp.mean(out * out, axis=0, keepdims=True) - mu * mu
    inv = lax.rsqrt(var + 1e-5)
    o_ref[...] = jnp.maximum((out - mu) * inv * g_ref[...] + be_ref[...], 0.0)


def _fin(parts, dpT, ws, xl, b, g, be):
    return pl.pallas_call(
        _fin_body,
        out_shape=jax.ShapeDtypeStruct((_N, _C), jnp.float32),
    )(parts, dpT, ws, xl, b, g, be)


def kernel(x, edge_index, embedding, W, bias, att_i, att_j, att_em_i,
           att_em_j, bn_gamma, bn_beta):
    ati = att_i.reshape(_C, 1)
    atei = att_em_i.reshape(_C, 1)
    atj = att_j.reshape(_C, 1)
    atej = att_em_j.reshape(_C, 1)
    xl, ai, aj, ajm, ws = _prep(x, embedding, W.T, ati, atei, atj, atej)
    pad = _EARR - _E
    src = jnp.concatenate([edge_index[0], jnp.zeros((pad,), jnp.int32)])
    dst = jnp.concatenate([edge_index[1], jnp.zeros((pad,), jnp.int32)])
    parts, den1 = _sc_edge(src, dst, ai.reshape(_N), aj.reshape(_N),
                           ajm.reshape(128)[:16], xl)
    parts = parts.reshape(_NC, _NP, _C)[:, :_N, :]
    dpT = den1.reshape(_NW, _N).T
    out = _fin(parts, dpT, ws, xl, bias.reshape(1, _C),
               bn_gamma.reshape(1, _C), bn_beta.reshape(1, _C))
    return out

# --- scband reference (transcript-rebuilt; emitter-appended) ---
"""Pipeline reference for scband-gnnlayer-60155311947936 (READ-ONLY COPY).

The authoritative reference and input builder live on the scoring server;
editing this copy changes nothing except your own understanding.
"""

import jax, jax.numpy as jnp
import numpy as np

N = 10000
E = 320000
IN_CH = 128
OUT_CH = 128
HEADS = 1


def setup_inputs(seed: int = 0) -> dict:
    key = jax.random.key(seed)
    ks = jax.random.split(key, 10)
    x = jax.random.normal(ks[0], (N, IN_CH), dtype=jnp.float32)
    edge_index = jax.random.randint(ks[1], (2, E), 0, N, dtype=jnp.int32)
    embedding = jax.random.normal(ks[2], (N, OUT_CH), dtype=jnp.float32)
    # learned parameters
    glorot = lambda k, shape, fan: (jax.random.uniform(k, shape, jnp.float32, -1.0, 1.0) * np.sqrt(6.0 / fan))
    W = glorot(ks[3], (HEADS * OUT_CH, IN_CH), IN_CH + HEADS * OUT_CH)  # lin.weight
    bias = jnp.zeros((OUT_CH,), dtype=jnp.float32)  # concat=False -> out_channels bias
    att_i = glorot(ks[4], (1, HEADS, OUT_CH), HEADS * OUT_CH + 1)
    att_j = glorot(ks[5], (1, HEADS, OUT_CH), HEADS * OUT_CH + 1)
    # att_em_* are zeros-initialized in the torch module; use small random so the
    # embedding pathway contributes numerically
    att_em_i = jax.random.normal(ks[6], (1, HEADS, OUT_CH), dtype=jnp.float32) * 0.01
    att_em_j = jax.random.normal(ks[7], (1, HEADS, OUT_CH), dtype=jnp.float32) * 0.01
    bn_gamma = jnp.ones((OUT_CH,), dtype=jnp.float32)
    bn_beta = jnp.zeros((OUT_CH,), dtype=jnp.float32)
    return {"x": x, "edge_index": edge_index, "embedding": embedding, "W": W,
            "bias": bias, "att_i": att_i, "att_j": att_j,
            "att_em_i": att_em_i, "att_em_j": att_em_j,
            "bn_gamma": bn_gamma, "bn_beta": bn_beta}


def reference(x, edge_index, embedding, W, bias, att_i, att_j, att_em_i, att_em_j, bn_gamma, bn_beta):
    num_nodes = x.shape[0]
    H, C = att_i.shape[1], att_i.shape[2]
    # remove_self_loops
    mask = edge_index[0] != edge_index[1]
    # add_self_loops
    loops = jnp.arange(num_nodes, dtype=edge_index.dtype)
    ei = jnp.concatenate([edge_index, jnp.stack([loops, loops])], axis=1)
    valid = jnp.concatenate([mask, jnp.ones((num_nodes,), dtype=bool)])
    src, dst = ei[0], ei[1]
    # linear projection (no bias)
    xl = x @ W.T  # [N, H*C]
    x_i = xl[dst].reshape(-1, H, C)
    x_j = xl[src].reshape(-1, H, C)
    emb_i = jnp.repeat(embedding[dst][:, None, :], H, axis=1)
    emb_j = jnp.repeat(embedding[src][:, None, :], H, axis=1)
    key_i = jnp.concatenate([x_i, emb_i], axis=-1)
    key_j = jnp.concatenate([x_j, emb_j], axis=-1)
    cat_att_i = jnp.concatenate([att_i, att_em_i], axis=-1)  # [1,H,2C]
    cat_att_j = jnp.concatenate([att_j, att_em_j], axis=-1)
    alpha = (key_i * cat_att_i).sum(-1) + (key_j * cat_att_j).sum(-1)  # [E',H]
    alpha = jax.nn.leaky_relu(alpha, 0.2)
    alpha = jnp.where(valid[:, None], alpha, -jnp.inf)
    # segment softmax over destination nodes (every node has a self loop)
    amax = jax.ops.segment_max(alpha, dst, num_segments=num_nodes)
    ex = jnp.exp(alpha - amax[dst])
    denom = jax.ops.segment_sum(ex, dst, num_segments=num_nodes)
    alpha = ex / (denom[dst] + 1e-16)
    msg = alpha[:, :, None] * x_j  # [E',H,C]
    out = jax.ops.segment_sum(msg, dst, num_segments=num_nodes)  # [N,H,C]
    out = out.mean(axis=1)  # concat=False
    out = out + bias
    # BatchNorm1d, training-mode batch statistics (biased variance)
    mean = out.mean(axis=0)
    var = out.var(axis=0)
    out = (out - mean) / jnp.sqrt(var + 1e-5) * bn_gamma + bn_beta
    return jax.nn.relu(out)

if __name__ == "__main__":
    import jax
    _d = setup_inputs()
    print(jax.jit(kernel)(*tuple(_d.values())))

</pallas_src>

<mosaic_0001>
#map = affine_map<(d0, d1) -> (0)>
#map1 = affine_map<(d0, d1) -> (0, 0)>
module attributes {stable_mosaic.version = 14 : i64} {
  func.func @body(%arg0: i32, %arg1: i32, %arg2: memref<323648xi32, #tpu.memory_space<hbm>>, %arg3: memref<323648xi32, #tpu.memory_space<hbm>>, %arg4: memref<10000xf32, #tpu.memory_space<hbm>>, %arg5: memref<10000xf32, #tpu.memory_space<hbm>>, %arg6: memref<16xf32, #tpu.memory_space<hbm>>, %arg7: memref<10000x128xf32, #tpu.memory_space<hbm>>, %arg8: memref<20480x128xf32, #tpu.memory_space<hbm>>, %arg9: memref<320000xf32, #tpu.memory_space<hbm>>, %arg10: memref<10000xf32, #tpu.memory_space<vmem>>, %arg11: memref<10000xf32, #tpu.memory_space<vmem>>, %arg12: memref<16xf32, #tpu.memory_space<vmem>>, %arg13: memref<10000xf32, #tpu.memory_space<vmem>>, %arg14: memref<64xi32, #tpu.memory_space<vmem>>, %arg15: memref<64xi32, #tpu.memory_space<vmem>>, %arg16: memref<64xi32, #tpu.memory_space<vmem>>, %arg17: memref<64xi32, #tpu.memory_space<vmem>>, %arg18: memref<64xf32, #tpu.memory_space<vmem>>, %arg19: memref<64xf32, #tpu.memory_space<vmem>>, %arg20: memref<64x128xf32, #tpu.memory_space<vmem>>, %arg21: memref<64x128xf32, #tpu.memory_space<vmem>>, %arg22: memref<10240x128xf32, #tpu.memory_space<vmem_shared>>, %arg23: memref<!tpu.dma_semaphore, #tpu.memory_space<semaphore_mem>>, %arg24: memref<!tpu.dma_semaphore, #tpu.memory_space<semaphore_mem>>, %arg25: memref<!tpu.dma_semaphore, #tpu.memory_space<semaphore_mem>>, %arg26: memref<!tpu.dma_semaphore, #tpu.memory_space<semaphore_mem>>) attributes {dimension_semantics = [#tpu.dimension_semantics<core_parallel>, #tpu.dimension_semantics<subcore_parallel>], iteration_bounds = array<i64: 2, 16>, scalar_prefetch = 0 : i64, scratch_operands = 17 : i64, tpu.core_type = #tpu.core_type<sc_vector_subcore>, window_params = [{transform_indices = #map}, {transform_indices = #map}, {transform_indices = #map}, {transform_indices = #map}, {transform_indices = #map}, {transform_indices = #map1}, {transform_indices = #map1}, {transform_indices = #map}]} {
    %mul3A = arith.constant 2 : i32
    %mul3A_0 = arith.muli %arg1, %mul3A : i32
    %add3A = arith.addi %mul3A_0, %arg0 : i32
    "tpu.region"() ({
      %run_scoped3A = tpu.sem_alloc : memref<!tpu.dma_semaphore, #tpu.memory_space<semaphore_mem>>
      tpu.enqueue_dma source(%arg4 : memref<10000xf32, #tpu.memory_space<hbm>>) target(%arg10 : memref<10000xf32, #tpu.memory_space<vmem>>) target_semaphore(%run_scoped3A : memref<!tpu.dma_semaphore, #tpu.memory_space<semaphore_mem>>)
      tpu.wait_dma2 semaphore(%run_scoped3A : memref<!tpu.dma_semaphore, #tpu.memory_space<semaphore_mem>>) src(%arg4 : memref<10000xf32, #tpu.memory_space<hbm>>) dst(%arg10 : memref<10000xf32, #tpu.memory_space<vmem>>)
      tpu.yield
    }) : () -> ()
    "tpu.region"() ({
      %run_scoped3A = tpu.sem_alloc : memref<!tpu.dma_semaphore, #tpu.memory_space<semaphore_mem>>
      tpu.enqueue_dma source(%arg5 : memref<10000xf32, #tpu.memory_space<hbm>>) target(%arg11 : memref<10000xf32, #tpu.memory_space<vmem>>) target_semaphore(%run_scoped3A : memref<!tpu.dma_semaphore, #tpu.memory_space<semaphore_mem>>)
      tpu.wait_dma2 semaphore(%run_scoped3A : memref<!tpu.dma_semaphore, #tpu.memory_space<semaphore_mem>>) src(%arg5 : memref<10000xf32, #tpu.memory_space<hbm>>) dst(%arg11 : memref<10000xf32, #tpu.memory_space<vmem>>)
      tpu.yield
    }) : () -> ()
    "tpu.region"() ({
      %run_scoped3A = tpu.sem_alloc : memref<!tpu.dma_semaphore, #tpu.memory_space<semaphore_mem>>
      tpu.enqueue_dma source(%arg6 : memref<16xf32, #tpu.memory_space<hbm>>) target(%arg12 : memref<16xf32, #tpu.memory_space<vmem>>) target_semaphore(%run_scoped3A : memref<!tpu.dma_semaphore, #tpu.memory_space<semaphore_mem>>)
      tpu.wait_dma2 semaphore(%run_scoped3A : memref<!tpu.dma_semaphore, #tpu.memory_space<semaphore_mem>>) src(%arg6 : memref<16xf32, #tpu.memory_space<hbm>>) dst(%arg12 : memref<16xf32, #tpu.memory_space<vmem>>)
      tpu.yield
    }) : () -> ()
    %broadcast_in_dim3A = arith.constant 0.000000e+00 : f32
    %broadcast_in_dim3A_1 = vector.broadcast %broadcast_in_dim3A : f32 to vector<16xf32>
    %scan3A = arith.constant 0 : i32
    %scan3A_2 = arith.constant 0 : i32
    %scan3A_3 = arith.constant 625 : i32
    %scan3A_4 = arith.addi %scan3A_2, %scan3A_3 : i32
    %scan3A_5 = arith.constant 1 : i32
    scf.for %scan3A_196 = %scan3A_2 to %scan3A_4 step %scan3A_5  : i32 {
      %mul3A_197 = arith.constant 16 : i32
      %mul3A_198 = arith.muli %scan3A_196, %mul3A_197 : i32
      %swap3A_199 = arith.index_cast %mul3A_198 : i32 to index
      %swap3A_200 = tpu.vector_load %arg13[%swap3A_199] {strides = array<i32>} : memref<10000xf32, #tpu.memory_space<vmem>>, vector<16xf32>,
      tpu.vector_store %arg13[%swap3A_199], %broadcast_in_dim3A_1 {strides = array<i32>} : memref<10000xf32, #tpu.memory_space<vmem>>, vector<16xf32>,
    }
    %scan3A_6 = arith.constant 625 : i32
    %scan3A_7 = arith.constant 0 : i32
    %scan3A_8 = arith.constant 0 : i32
    %scan3A_9 = arith.constant 64 : i32
    %scan3A_10 = arith.addi %scan3A_8, %scan3A_9 : i32
    %scan3A_11 = arith.constant 1 : i32
    scf.for %scan3A_196 = %scan3A_8 to %scan3A_10 step %scan3A_11  : i32 {
      %swap3A_197 = arith.index_cast %scan3A_196 : i32 to index
      %swap3A_198 = arith.constant 0 : index
      %swap3A_199 = tpu.vector_load %arg20[%swap3A_197, %swap3A_198] {strides = array<i32>} : memref<64x128xf32, #tpu.memory_space<vmem>>, vector<16xf32>,
      tpu.vector_store %arg20[%swap3A_197, %swap3A_198], %broadcast_in_dim3A_1 {strides = array<i32>} : memref<64x128xf32, #tpu.memory_space<vmem>>, vector<16xf32>,
      %swap3A_200 = arith.index_cast %scan3A_196 : i32 to index
      %swap3A_201 = arith.constant 0 : index
      %swap3A_202 = tpu.vector_load %arg21[%swap3A_200, %swap3A_201] {strides = array<i32>} : memref<64x128xf32, #tpu.memory_space<vmem>>, vector<16xf32>,
      tpu.vector_store %arg21[%swap3A_200, %swap3A_201], %broadcast_in_dim3A_1 {strides = array<i32>} : memref<64x128xf32, #tpu.memory_space<vmem>>, vector<16xf32>,
      %swap3A_203 = arith.index_cast %scan3A_196 : i32 to index
      %swap3A_204 = arith.constant 16 : index
      %swap3A_205 = tpu.vector_load %arg20[%swap3A_203, %swap3A_204] {strides = array<i32>} : memref<64x128xf32, #tpu.memory_space<vmem>>, vector<16xf32>,
      tpu.vector_store %arg20[%swap3A_203, %swap3A_204], %broadcast_in_dim3A_1 {strides = array<i32>} : memref<64x128xf32, #tpu.memory_space<vmem>>, vector<16xf32>,
      %swap3A_206 = arith.index_cast %scan3A_196 : i32 to index
      %swap3A_207 = arith.constant 16 : index
      %swap3A_208 = tpu.vector_load %arg21[%swap3A_206, %swap3A_207] {strides = array<i32>} : memref<64x128xf32, #tpu.memory_space<vmem>>, vector<16xf32>,
      tpu.vector_store %arg21[%swap3A_206, %swap3A_207], %broadcast_in_dim3A_1 {strides = array<i32>} : memref<64x128xf32, #tpu.memory_space<vmem>>, vector<16xf32>,
      %swap3A_209 = arith.index_cast %scan3A_196 : i32 to index
      %swap3A_210 = arith.constant 32 : index
      %swap3A_211 = tpu.vector_load %arg20[%swap3A_209, %swap3A_210] {strides = array<i32>} : memref<64x128xf32, #tpu.memory_space<vmem>>, vector<16xf32>,
      tpu.vector_store %arg20[%swap3A_209, %swap3A_210], %broadcast_in_dim3A_1 {strides = array<i32>} : memref<64x128xf32, #tpu.memory_space<vmem>>, vector<16xf32>,
      %swap3A_212 = arith.index_cast %scan3A_196 : i32 to index
      %swap3A_213 = arith.constant 32 : index
      %swap3A_214 = tpu.vector_load %arg21[%swap3A_212, %swap3A_213] {strides = array<i32>} : memref<64x128xf32, #tpu.memory_space<vmem>>, vector<16xf32>,
      tpu.vector_store %arg21[%swap3A_212, %swap3A_213], %broadcast_in_dim3A_1 {strides = array<i32>} : memref<64x128xf32, #tpu.memory_space<vmem>>, vector<16xf32>,
      %swap3A_215 = arith.index_cast %scan3A_196 : i32 to index
      %swap3A_216 = arith.constant 48 : index
      %swap3A_217 = tpu.vector_load %arg20[%swap3A_215, %swap3A_216] {strides = array<i32>} : memref<64x128xf32, #tpu.memory_space<vmem>>, vector<16xf32>,
      tpu.vector_store %arg20[%swap3A_215, %swap3A_216], %broadcast_in_dim3A_1 {strides = array<i32>} : memref<64x128xf32, #tpu.memory_space<vmem>>, vector<16xf32>,
      %swap3A_218 = arith.index_cast %scan3A_196 : i32 to index
      %swap3A_219 = arith.constant 48 : index
      %swap3A_220 = tpu.vector_load %arg21[%swap3A_218, %swap3A_219] {strides = array<i32>} : memref<64x128xf32, #tpu.memory_space<vmem>>, vector<16xf32>,
      tpu.vector_store %arg21[%swap3A_218, %swap3A_219], %broadcast_in_dim3A_1 {strides = array<i32>} : memref<64x128xf32, #tpu.memory_space<vmem>>, vector<16xf32>,
      %swap3A_221 = arith.index_cast %scan3A_196 : i32 to index
      %swap3A_222 = arith.constant 64 : index
      %swap3A_223 = tpu.vector_load %arg20[%swap3A_221, %swap3A_222] {strides = array<i32>} : memref<64x128xf32, #tpu.memory_space<vmem>>, vector<16xf32>,
      tpu.vector_store %arg20[%swap3A_221, %swap3A_222], %broadcast_in_dim3A_1 {strides = array<i32>} : memref<64x128xf32, #tpu.memory_space<vmem>>, vector<16xf32>,
      %swap3A_224 = arith.index_cast %scan3A_196 : i32 to index
      %swap3A_225 = arith.constant 64 : index
      %swap3A_226 = tpu.vector_load %arg21[%swap3A_224, %swap3A_225] {strides = array<i32>} : memref<64x128xf32, #tpu.memory_space<vmem>>, vector<16xf32>,
      tpu.vector_store %arg21[%swap3A_224, %swap3A_225], %broadcast_in_dim3A_1 {strides = array<i32>} : memref<64x128xf32, #tpu.memory_space<vmem>>, vector<16xf32>,
      %swap3A_227 = arith.index_cast %scan3A_196 : i32 to index
      %swap3A_228 = arith.constant 80 : index
      %swap3A_229 = tpu.vector_load %arg20[%swap3A_227, %swap3A_228] {strides = array<i32>} : memref<64x128xf32, #tpu.memory_space<vmem>>, vector<16xf32>,
      tpu.vector_store %arg20[%swap3A_227, %swap3A_228], %broadcast_in_dim3A_1 {strides = array<i32>} : memref<64x128xf32, #tpu.memory_space<vmem>>, vector<16xf32>,
      %swap3A_230 = arith.index_cast %scan3A_196 : i32 to index
      %swap3A_231 = arith.constant 80 : index
      %swap3A_232 = tpu.vector_load %arg21[%swap3A_230, %swap3A_231] {strides = array<i32>} : memref<64x128xf32, #tpu.memory_space<vmem>>, vector<16xf32>,
      tpu.vector_store %arg21[%swap3A_230, %swap3A_231], %broadcast_in_dim3A_1 {strides = array<i32>} : memref<64x128xf32, #tpu.memory_space<vmem>>, vector<16xf32>,
      %swap3A_233 = arith.index_cast %scan3A_196 : i32 to index
      %swap3A_234 = arith.constant 96 : index
      %swap3A_235 = tpu.vector_load %arg20[%swap3A_233, %swap3A_234] {strides = array<i32>} : memref<64x128xf32, #tpu.memory_space<vmem>>, vector<16xf32>,
      tpu.vector_store %arg20[%swap3A_233, %swap3A_234], %broadcast_in_dim3A_1 {strides = array<i32>} : memref<64x128xf32, #tpu.memory_space<vmem>>, vector<16xf32>,
      %swap3A_236 = arith.index_cast %scan3A_196 : i32 to index
      %swap3A_237 = arith.constant 96 : index
      %swap3A_238 = tpu.vector_load %arg21[%swap3A_236, %swap3A_237] {strides = array<i32>} : memref<64x128xf32, #tpu.memory_space<vmem>>, vector<16xf32>,
      tpu.vector_store %arg21[%swap3A_236, %swap3A_237], %broadcast_in_dim3A_1 {strides = array<i32>} : memref<64x128xf32, #tpu.memory_space<vmem>>, vector<16xf32>,
      %swap3A_239 = arith.index_cast %scan3A_196 : i32 to index
      %swap3A_240 = arith.constant 112 : index
      %swap3A_241 = tpu.vector_load %arg20[%swap3A_239, %swap3A_240] {strides = array<i32>} : memref<64x128xf32, #tpu.memory_space<vmem>>, vector<16xf32>,
      tpu.vector_store %arg20[%swap3A_239, %swap3A_240], %broadcast_in_dim3A_1 {strides = array<i32>} : memref<64x128xf32, #tpu.memory_space<vmem>>, vector<16xf32>,
      %swap3A_242 = arith.index_cast %scan3A_196 : i32 to index
      %swap3A_243 = arith.constant 112 : index
      %swap3A_244 = tpu.vector_load %arg21[%swap3A_242, %swap3A_243] {strides = array<i32>} : memref<64x128xf32, #tpu.memory_space<vmem>>, vector<16xf32>,
      tpu.vector_store %arg21[%swap3A_242, %swap3A_243], %broadcast_in_dim3A_1 {strides = array<i32>} : memref<64x128xf32, #tpu.memory_space<vmem>>, vector<16xf32>,
    }
    %scan3A_12 = arith.constant 64 : i32
    %broadcast_in_dim3A_13 = arith.constant 0 : i32
    %broadcast_in_dim3A_14 = vector.broadcast %broadcast_in_dim3A_13 : i32 to vector<16xi32>
    %swap3A = arith.constant 0 : index
    %swap3A_15 = tpu.vector_load %arg17[%swap3A] {strides = array<i32>} : memref<64xi32, #tpu.memory_space<vmem>>, vector<16xi32>,
    tpu.vector_store %arg17[%swap3A], %broadcast_in_dim3A_14 {strides = array<i32>} : memref<64xi32, #tpu.memory_space<vmem>>, vector<16xi32>,
    %broadcast_in_dim3A_16 = arith.constant 0 : i32
    %broadcast_in_dim3A_17 = vector.broadcast %broadcast_in_dim3A_16 : i32 to vector<16xi32>
    %swap3A_18 = arith.constant 16 : index
    %swap3A_19 = tpu.vector_load %arg17[%swap3A_18] {strides = array<i32>} : memref<64xi32, #tpu.memory_space<vmem>>, vector<16xi32>,
    tpu.vector_store %arg17[%swap3A_18], %broadcast_in_dim3A_17 {strides = array<i32>} : memref<64xi32, #tpu.memory_space<vmem>>, vector<16xi32>,
    %broadcast_in_dim3A_20 = arith.constant 0 : i32
    %broadcast_in_dim3A_21 = vector.broadcast %broadcast_in_dim3A_20 : i32 to vector<16xi32>
    %swap3A_22 = arith.constant 32 : index
    %swap3A_23 = tpu.vector_load %arg17[%swap3A_22] {strides = array<i32>} : memref<64xi32, #tpu.memory_space<vmem>>, vector<16xi32>,
    tpu.vector_store %arg17[%swap3A_22], %broadcast_in_dim3A_21 {strides = array<i32>} : memref<64xi32, #tpu.memory_space<vmem>>, vector<16xi32>,
    %broadcast_in_dim3A_24 = arith.constant 0 : i32
    %broadcast_in_dim3A_25 = vector.broadcast %broadcast_in_dim3A_24 : i32 to vector<16xi32>
    %swap3A_26 = arith.constant 48 : index
    %swap3A_27 = tpu.vector_load %arg17[%swap3A_26] {strides = array<i32>} : memref<64xi32, #tpu.memory_space<vmem>>, vector<16xi32>,
    tpu.vector_store %arg17[%swap3A_26], %broadcast_in_dim3A_25 {strides = array<i32>} : memref<64xi32, #tpu.memory_space<vmem>>, vector<16xi32>,
    %mul3A_28 = arith.constant 640 : i32
    %mul3A_29 = arith.muli %arg1, %mul3A_28 : i32
    %add3A_30 = arith.constant 0 : i32
    %add3A_31 = arith.addi %mul3A_29, %add3A_30 : i32
    "tpu.region"() ({
      %run_scoped3A = tpu.sem_alloc : memref<!tpu.dma_semaphore, #tpu.memory_space<semaphore_mem>>
      %dma_start3A_196 = arith.constant 0 : i32
      %dma_start3A_197 = arith.constant 0 : i32
      %dma_start3A_198 = tpu.memref_slice %arg20[%dma_start3A_196, %dma_start3A_197] : memref<64x128xf32, #tpu.memory_space<vmem>> -> memref<128x128xf32, #tpu.memory_space<vmem>>
      %dma_start3A_199 = arith.constant 0 : i32
      %dma_start3A_200 = tpu.memref_slice %arg22[%add3A_31, %dma_start3A_199] : memref<10240x128xf32, #tpu.memory_space<vmem_shared>> -> memref<128x128xf32, #tpu.memory_space<vmem_shared>>
      %dma_start3A_201 = arith.constant 0 : i32
      %dma_start3A_202 = tpu.memref_slice %arg22[%add3A_31, %dma_start3A_201] : memref<10240x128xf32, #tpu.memory_space<vmem_shared>> -> memref<128x128xf32, #tpu.memory_space<vmem_shared>>
      %dma_start3A_203 = arith.constant 0 : i32
      %dma_start3A_204 = arith.constant 0 : i32
      %dma_start3A_205 = tpu.memref_slice %arg20[%dma_start3A_203, %dma_start3A_204] : memref<64x128xf32, #tpu.memory_space<vmem>> -> memref<128x128xf32, #tpu.memory_space<vmem>>
      tpu.enqueue_dma source(%dma_start3A_205 : memref<128x128xf32, #tpu.memory_space<vmem>>) target(%dma_start3A_202 : memref<128x128xf32, #tpu.memory_space<vmem_shared>>) target_semaphore(%run_scoped3A : memref<!tpu.dma_semaphore, #tpu.memory_space<semaphore_mem>>)
      %dma_wait3A_206 = arith.constant 0 : i32
      %dma_wait3A_207 = arith.constant 0 : i32
      %dma_wait3A_208 = tpu.memref_slice %arg20[%dma_wait3A_206, %dma_wait3A_207] : memref<64x128xf32, #tpu.memory_space<vmem>> -> memref<128x128xf32, #tpu.memory_space<vmem>>
      %dma_wait3A_209 = arith.constant 0 : i32
      %dma_wait3A_210 = tpu.memref_slice %arg22[%add3A_31, %dma_wait3A_209] : memref<10240x128xf32, #tpu.memory_space<vmem_shared>> -> memref<128x128xf32, #tpu.memory_space<vmem_shared>>
      %dma_wait3A_211 = arith.constant 0 : i32
      %dma_wait3A_212 = tpu.memref_slice %arg22[%add3A_31, %dma_wait3A_211] : memref<10240x128xf32, #tpu.memory_space<vmem_shared>> -> memref<128x128xf32, #tpu.memory_space<vmem_shared>>
      %dma_wait3A_213 = arith.constant 0 : i32
      %dma_wait3A_214 = arith.constant 0 : i32
      %dma_wait3A_215 = tpu.memref_slice %arg20[%dma_wait3A_213, %dma_wait3A_214] : memref<64x128xf32, #tpu.memory_space<vmem>> -> memref<128x128xf32, #tpu.memory_space<vmem>>
      tpu.wait_dma2 semaphore(%run_scoped3A : memref<!tpu.dma_semaphore, #tpu.memory_space<semaphore_mem>>) src(%dma_wait3A_215 : memref<128x128xf32, #tpu.memory_space<vmem>>) dst(%dma_wait3A_212 : memref<128x128xf32, #tpu.memory_space<vmem_shared>>)
      tpu.yield
    }) : () -> ()
    %add3A_32 = arith.constant 128 : i32
    %add3A_33 = arith.addi %mul3A_29, %add3A_32 : i32
    "tpu.region"() ({
      %run_scoped3A = tpu.sem_alloc : memref<!tpu.dma_semaphore, #tpu.memory_space<semaphore_mem>>
      %dma_start3A_196 = arith.constant 0 : i32
      %dma_start3A_197 = arith.constant 0 : i32
      %dma_start3A_198 = tpu.memref_slice %arg20[%dma_start3A_196, %dma_start3A_197] : memref<64x128xf32, #tpu.memory_space<vmem>> -> memref<128x128xf32, #tpu.memory_space<vmem>>
      %dma_start3A_199 = arith.constant 0 : i32
      %dma_start3A_200 = tpu.memref_slice %arg22[%add3A_33, %dma_start3A_199] : memref<10240x128xf32, #tpu.memory_space<vmem_shared>> -> memref<128x128xf32, #tpu.memory_space<vmem_shared>>
      %dma_start3A_201 = arith.constant 0 : i32
      %dma_start3A_202 = tpu.memref_slice %arg22[%add3A_33, %dma_start3A_201] : memref<10240x128xf32, #tpu.memory_space<vmem_shared>> -> memref<128x128xf32, #tpu.memory_space<vmem_shared>>
      %dma_start3A_203 = arith.constant 0 : i32
      %dma_start3A_204 = arith.constant 0 : i32
      %dma_start3A_205 = tpu.memref_slice %arg20[%dma_start3A_203, %dma_start3A_204] : memref<64x128xf32, #tpu.memory_space<vmem>> -> memref<128x128xf32, #tpu.memory_space<vmem>>
      tpu.enqueue_dma source(%dma_start3A_205 : memref<128x128xf32, #tpu.memory_space<vmem>>) target(%dma_start3A_202 : memref<128x128xf32, #tpu.memory_space<vmem_shared>>) target_semaphore(%run_scoped3A : memref<!tpu.dma_semaphore, #tpu.memory_space<semaphore_mem>>)
      %dma_wait3A_206 = arith.constant 0 : i32
      %dma_wait3A_207 = arith.constant 0 : i32
      %dma_wait3A_208 = tpu.memref_slice %arg20[%dma_wait3A_206, %dma_wait3A_207] : memref<64x128xf32, #tpu.memory_space<vmem>> -> memref<128x128xf32, #tpu.memory_space<vmem>>
      %dma_wait3A_209 = arith.constant 0 : i32
      %dma_wait3A_210 = tpu.memref_slice %arg22[%add3A_33, %dma_wait3A_209] : memref<10240x128xf32, #tpu.memory_space<vmem_shared>> -> memref<128x128xf32, #tpu.memory_space<vmem_shared>>
      %dma_wait3A_211 = arith.constant 0 : i32
      %dma_wait3A_212 = tpu.memref_slice %arg22[%add3A_33, %dma_wait3A_211] : memref<10240x128xf32, #tpu.memory_space<vmem_shared>> -> memref<128x128xf32, #tpu.memory_space<vmem_shared>>
      %dma_wait3A_213 = arith.constant 0 : i32
      %dma_wait3A_214 = arith.constant 0 : i32
      %dma_wait3A_215 = tpu.memref_slice %arg20[%dma_wait3A_213, %dma_wait3A_214] : memref<64x128xf32, #tpu.memory_space<vmem>> -> memref<128x128xf32, #tpu.memory_space<vmem>>
      tpu.wait_dma2 semaphore(%run_scoped3A : memref<!tpu.dma_semaphore, #tpu.memory_space<semaphore_mem>>) src(%dma_wait3A_215 : memref<128x128xf32, #tpu.memory_space<vmem>>) dst(%dma_wait3A_212 : memref<128x128xf32, #tpu.memory_space<vmem_shared>>)
      tpu.yield
    }) : () -> ()
    %add3A_34 = arith.constant 256 : i32
    %add3A_35 = arith.addi %mul3A_29, %add3A_34 : i32
    "tpu.region"() ({
      %run_scoped3A = tpu.sem_alloc : memref<!tpu.dma_semaphore, #tpu.memory_space<semaphore_mem>>
      %dma_start3A_196 = arith.constant 0 : i32
      %dma_start3A_197 = arith.constant 0 : i32
      %dma_start3A_198 = tpu.memref_slice %arg20[%dma_start3A_196, %dma_start3A_197] : memref<64x128xf32, #tpu.memory_space<vmem>> -> memref<128x128xf32, #tpu.memory_space<vmem>>
      %dma_start3A_199 = arith.constant 0 : i32
      %dma_start3A_200 = tpu.memref_slice %arg22[%add3A_35, %dma_start3A_199] : memref<10240x128xf32, #tpu.memory_space<vmem_shared>> -> memref<128x128xf32, #tpu.memory_space<vmem_shared>>
      %dma_start3A_201 = arith.constant 0 : i32
      %dma_start3A_202 = tpu.memref_slice %arg22[%add3A_35, %dma_start3A_201] : memref<10240x128xf32, #tpu.memory_space<vmem_shared>> -> memref<128x128xf32, #tpu.memory_space<vmem_shared>>
      %dma_start3A_203 = arith.constant 0 : i32
      %dma_start3A_204 = arith.constant 0 : i32
      %dma_start3A_205 = tpu.memref_slice %arg20[%dma_start3A_203, %dma_start3A_204] : memref<64x128xf32, #tpu.memory_space<vmem>> -> memref<128x128xf32, #tpu.memory_space<vmem>>
      tpu.enqueue_dma source(%dma_start3A_205 : memref<128x128xf32, #tpu.memory_space<vmem>>) target(%dma_start3A_202 : memref<128x128xf32, #tpu.memory_space<vmem_shared>>) target_semaphore(%run_scoped3A : memref<!tpu.dma_semaphore, #tpu.memory_space<semaphore_mem>>)
      %dma_wait3A_206 = arith.constant 0 : i32
      %dma_wait3A_207 = arith.constant 0 : i32
      %dma_wait3A_208 = tpu.memref_slice %arg20[%dma_wait3A_206, %dma_wait3A_207] : memref<64x128xf32, #tpu.memory_space<vmem>> -> memref<128x128xf32, #tpu.memory_space<vmem>>
      %dma_wait3A_209 = arith.constant 0 : i32
      %dma_wait3A_210 = tpu.memref_slice %arg22[%add3A_35, %dma_wait3A_209] : memref<10240x128xf32, #tpu.memory_space<vmem_shared>> -> memref<128x128xf32, #tpu.memory_space<vmem_shared>>
      %dma_wait3A_211 = arith.constant 0 : i32
      %dma_wait3A_212 = tpu.memref_slice %arg22[%add3A_35, %dma_wait3A_211] : memref<10240x128xf32, #tpu.memory_space<vmem_shared>> -> memref<128x128xf32, #tpu.memory_space<vmem_shared>>
      %dma_wait3A_213 = arith.constant 0 : i32
      %dma_wait3A_214 = arith.constant 0 : i32
      %dma_wait3A_215 = tpu.memref_slice %arg20[%dma_wait3A_213, %dma_wait3A_214] : memref<64x128xf32, #tpu.memory_space<vmem>> -> memref<128x128xf32, #tpu.memory_space<vmem>>
      tpu.wait_dma2 semaphore(%run_scoped3A : memref<!tpu.dma_semaphore, #tpu.memory_space<semaphore_mem>>) src(%dma_wait3A_215 : memref<128x128xf32, #tpu.memory_space<vmem>>) dst(%dma_wait3A_212 : memref<128x128xf32, #tpu.memory_space<vmem_shared>>)
      tpu.yield
    }) : () -> ()
    %add3A_36 = arith.constant 384 : i32
    %add3A_37 = arith.addi %mul3A_29, %add3A_36 : i32
    "tpu.region"() ({
      %run_scoped3A = tpu.sem_alloc : memref<!tpu.dma_semaphore, #tpu.memory_space<semaphore_mem>>
      %dma_start3A_196 = arith.constant 0 : i32
      %dma_start3A_197 = arith.constant 0 : i32
      %dma_start3A_198 = tpu.memref_slice %arg20[%dma_start3A_196, %dma_start3A_197] : memref<64x128xf32, #tpu.memory_space<vmem>> -> memref<128x128xf32, #tpu.memory_space<vmem>>
      %dma_start3A_199 = arith.constant 0 : i32
      %dma_start3A_200 = tpu.memref_slice %arg22[%add3A_37, %dma_start3A_199] : memref<10240x128xf32, #tpu.memory_space<vmem_shared>> -> memref<128x128xf32, #tpu.memory_space<vmem_shared>>
      %dma_start3A_201 = arith.constant 0 : i32
      %dma_start3A_202 = tpu.memref_slice %arg22[%add3A_37, %dma_start3A_201] : memref<10240x128xf32, #tpu.memory_space<vmem_shared>> -> memref<128x128xf32, #tpu.memory_space<vmem_shared>>
      %dma_start3A_203 = arith.constant 0 : i32
      %dma_start3A_204 = arith.constant 0 : i32
      %dma_start3A_205 = tpu.memref_slice %arg20[%dma_start3A_203, %dma_start3A_204] : memref<64x128xf32, #tpu.memory_space<vmem>> -> memref<128x128xf32, #tpu.memory_space<vmem>>
      tpu.enqueue_dma source(%dma_start3A_205 : memref<128x128xf32, #tpu.memory_space<vmem>>) target(%dma_start3A_202 : memref<128x128xf32, #tpu.memory_space<vmem_shared>>) target_semaphore(%run_scoped3A : memref<!tpu.dma_semaphore, #tpu.memory_space<semaphore_mem>>)
      %dma_wait3A_206 = arith.constant 0 : i32
      %dma_wait3A_207 = arith.constant 0 : i32
      %dma_wait3A_208 = tpu.memref_slice %arg20[%dma_wait3A_206, %dma_wait3A_207] : memref<64x128xf32, #tpu.memory_space<vmem>> -> memref<128x128xf32, #tpu.memory_space<vmem>>
      %dma_wait3A_209 = arith.constant 0 : i32
      %dma_wait3A_210 = tpu.memref_slice %arg22[%add3A_37, %dma_wait3A_209] : memref<10240x128xf32, #tpu.memory_space<vmem_shared>> -> memref<128x128xf32, #tpu.memory_space<vmem_shared>>
      %dma_wait3A_211 = arith.constant 0 : i32
      %dma_wait3A_212 = tpu.memref_slice %arg22[%add3A_37, %dma_wait3A_211] : memref<10240x128xf32, #tpu.memory_space<vmem_shared>> -> memref<128x128xf32, #tpu.memory_space<vmem_shared>>
      %dma_wait3A_213 = arith.constant 0 : i32
      %dma_wait3A_214 = arith.constant 0 : i32
      %dma_wait3A_215 = tpu.memref_slice %arg20[%dma_wait3A_213, %dma_wait3A_214] : memref<64x128xf32, #tpu.memory_space<vmem>> -> memref<128x128xf32, #tpu.memory_space<vmem>>
      tpu.wait_dma2 semaphore(%run_scoped3A : memref<!tpu.dma_semaphore, #tpu.memory_space<semaphore_mem>>) src(%dma_wait3A_215 : memref<128x128xf32, #tpu.memory_space<vmem>>) dst(%dma_wait3A_212 : memref<128x128xf32, #tpu.memory_space<vmem_shared>>)
      tpu.yield
    }) : () -> ()
    %add3A_38 = arith.constant 512 : i32
    %add3A_39 = arith.addi %mul3A_29, %add3A_38 : i32
    "tpu.region"() ({
      %run_scoped3A = tpu.sem_alloc : memref<!tpu.dma_semaphore, #tpu.memory_space<semaphore_mem>>
      %dma_start3A_196 = arith.constant 0 : i32
      %dma_start3A_197 = arith.constant 0 : i32
      %dma_start3A_198 = tpu.memref_slice %arg20[%dma_start3A_196, %dma_start3A_197] : memref<64x128xf32, #tpu.memory_space<vmem>> -> memref<128x128xf32, #tpu.memory_space<vmem>>
      %dma_start3A_199 = arith.constant 0 : i32
      %dma_start3A_200 = tpu.memref_slice %arg22[%add3A_39, %dma_start3A_199] : memref<10240x128xf32, #tpu.memory_space<vmem_shared>> -> memref<128x128xf32, #tpu.memory_space<vmem_shared>>
      %dma_start3A_201 = arith.constant 0 : i32
      %dma_start3A_202 = tpu.memref_slice %arg22[%add3A_39, %dma_start3A_201] : memref<10240x128xf32, #tpu.memory_space<vmem_shared>> -> memref<128x128xf32, #tpu.memory_space<vmem_shared>>
      %dma_start3A_203 = arith.constant 0 : i32
      %dma_start3A_204 = arith.constant 0 : i32
      %dma_start3A_205 = tpu.memref_slice %arg20[%dma_start3A_203, %dma_start3A_204] : memref<64x128xf32, #tpu.memory_space<vmem>> -> memref<128x128xf32, #tpu.memory_space<vmem>>
      tpu.enqueue_dma source(%dma_start3A_205 : memref<128x128xf32, #tpu.memory_space<vmem>>) target(%dma_start3A_202 : memref<128x128xf32, #tpu.memory_space<vmem_shared>>) target_semaphore(%run_scoped3A : memref<!tpu.dma_semaphore, #tpu.memory_space<semaphore_mem>>)
      %dma_wait3A_206 = arith.constant 0 : i32
      %dma_wait3A_207 = arith.constant 0 : i32
      %dma_wait3A_208 = tpu.memref_slice %arg20[%dma_wait3A_206, %dma_wait3A_207] : memref<64x128xf32, #tpu.memory_space<vmem>> -> memref<128x128xf32, #tpu.memory_space<vmem>>
      %dma_wait3A_209 = arith.constant 0 : i32
      %dma_wait3A_210 = tpu.memref_slice %arg22[%add3A_39, %dma_wait3A_209] : memref<10240x128xf32, #tpu.memory_space<vmem_shared>> -> memref<128x128xf32, #tpu.memory_space<vmem_shared>>
      %dma_wait3A_211 = arith.constant 0 : i32
      %dma_wait3A_212 = tpu.memref_slice %arg22[%add3A_39, %dma_wait3A_211] : memref<10240x128xf32, #tpu.memory_space<vmem_shared>> -> memref<128x128xf32, #tpu.memory_space<vmem_shared>>
      %dma_wait3A_213 = arith.constant 0 : i32
      %dma_wait3A_214 = arith.constant 0 : i32
      %dma_wait3A_215 = tpu.memref_slice %arg20[%dma_wait3A_213, %dma_wait3A_214] : memref<64x128xf32, #tpu.memory_space<vmem>> -> memref<128x128xf32, #tpu.memory_space<vmem>>
      tpu.wait_dma2 semaphore(%run_scoped3A : memref<!tpu.dma_semaphore, #tpu.memory_space<semaphore_mem>>) src(%dma_wait3A_215 : memref<128x128xf32, #tpu.memory_space<vmem>>) dst(%dma_wait3A_212 : memref<128x128xf32, #tpu.memory_space<vmem_shared>>)
      tpu.yield
    }) : () -> ()
    %barrier3A = arith.constant 0 : index
    tpu.barrier barrier_id(%barrier3A)
    %mul3A_40 = arith.constant 10112 : i32
    %mul3A_41 = arith.muli %add3A, %mul3A_40 : i32
    %get3A = arith.constant 0 : index
    %get3A_42 = tpu.vector_load %arg12[%get3A] {strides = array<i32>} : memref<16xf32, #tpu.memory_space<vmem>>, vector<16xf32>,
    %add3A_43 = arith.constant 0 : i32
    %add3A_44 = arith.addi %mul3A_41, %add3A_43 : i32
    %dma_start3A = tpu.memref_slice %arg2[%add3A_44] : memref<323648xi32, #tpu.memory_space<hbm>> -> memref<64xi32, #tpu.memory_space<hbm>>
    %dma_start3A_45 = tpu.memref_slice %arg2[%add3A_44] : memref<323648xi32, #tpu.memory_space<hbm>> -> memref<64xi32, #tpu.memory_space<hbm>>
    tpu.enqueue_dma source(%dma_start3A_45 : memref<64xi32, #tpu.memory_space<hbm>>) target(%arg14 : memref<64xi32, #tpu.memory_space<vmem>>) target_semaphore(%arg23 : memref<!tpu.dma_semaphore, #tpu.memory_space<semaphore_mem>>)
    %dma_start3A_46 = tpu.memref_slice %arg3[%add3A_44] : memref<323648xi32, #tpu.memory_space<hbm>> -> memref<64xi32, #tpu.memory_space<hbm>>
    %dma_start3A_47 = tpu.memref_slice %arg3[%add3A_44] : memref<323648xi32, #tpu.memory_space<hbm>> -> memref<64xi32, #tpu.memory_space<hbm>>
    tpu.enqueue_dma source(%dma_start3A_47 : memref<64xi32, #tpu.memory_space<hbm>>) target(%arg16 : memref<64xi32, #tpu.memory_space<vmem>>) target_semaphore(%arg23 : memref<!tpu.dma_semaphore, #tpu.memory_space<semaphore_mem>>)
    %dma_wait3A = tpu.memref_slice %arg2[%add3A_44] : memref<323648xi32, #tpu.memory_space<hbm>> -> memref<64xi32, #tpu.memory_space<hbm>>
    %dma_wait3A_48 = tpu.memref_slice %arg2[%add3A_44] : memref<323648xi32, #tpu.memory_space<hbm>> -> memref<64xi32, #tpu.memory_space<hbm>>
    tpu.wait_dma2 semaphore(%arg23 : memref<!tpu.dma_semaphore, #tpu.memory_space<semaphore_mem>>) src(%dma_wait3A_48 : memref<64xi32, #tpu.memory_space<hbm>>) dst(%arg14 : memref<64xi32, #tpu.memory_space<vmem>>)
    %dma_wait3A_49 = tpu.memref_slice %arg3[%add3A_44] : memref<323648xi32, #tpu.memory_space<hbm>> -> memref<64xi32, #tpu.memory_space<hbm>>
    %dma_wait3A_50 = tpu.memref_slice %arg3[%add3A_44] : memref<323648xi32, #tpu.memory_space<hbm>> -> memref<64xi32, #tpu.memory_space<hbm>>
    tpu.wait_dma2 semaphore(%arg23 : memref<!tpu.dma_semaphore, #tpu.memory_space<semaphore_mem>>) src(%dma_wait3A_50 : memref<64xi32, #tpu.memory_space<hbm>>) dst(%arg16 : memref<64xi32, #tpu.memory_space<vmem>>)
    %get3A_51 = arith.constant 0 : index
    %get3A_52 = tpu.vector_load %arg14[%get3A_51] {strides = array<i32>} : memref<64xi32, #tpu.memory_space<vmem>>, vector<16xi32>,
    %get3A_53 = arith.constant 0 : index
    %get3A_54 = tpu.vector_load %arg16[%get3A_53] {strides = array<i32>} : memref<64xi32, #tpu.memory_space<vmem>>, vector<16xi32>,
    %gather3A = tpu.vector_load_idx %arg11[%get3A_52] : memref<10000xf32, #tpu.memory_space<vmem>>[vector<16xi32>], vector<16xf32>,
    %gather3A_55 = tpu.vector_load_idx %arg10[%get3A_54] : memref<10000xf32, #tpu.memory_space<vmem>>[vector<16xi32>], vector<16xf32>,
    %add3A_56 = arith.addf %gather3A_55, %get3A_42 : vector<16xf32>
    %mul3A_57 = arith.constant 2.000000e-01 : f32
    %mul3A_58 = vector.broadcast %mul3A_57 : f32 to vector<16xf32>
    %mul3A_59 = arith.mulf %mul3A_58, %add3A_56 : vector<16xf32>
    %max3A = arith.maximumf %add3A_56, %mul3A_59 : vector<16xf32>
    %add3A_60 = arith.addf %gather3A_55, %gather3A : vector<16xf32>
    %mul3A_61 = arith.constant 2.000000e-01 : f32
    %mul3A_62 = vector.broadcast %mul3A_61 : f32 to vector<16xf32>
    %mul3A_63 = arith.mulf %mul3A_62, %add3A_60 : vector<16xf32>
    %max3A_64 = arith.maximumf %add3A_60, %mul3A_63 : vector<16xf32>
    %ne3A = arith.cmpi ne, %get3A_52, %get3A_54 : vector<16xi32>
    %sub3A = arith.subf %max3A_64, %max3A : vector<16xf32>
    %exp3A = math.exp %sub3A : vector<16xf32>
    %jit3A = arith.constant 0.000000e+00 : f32
    %broadcast_in_dim3A_65 = vector.broadcast %jit3A : f32 to vector<16xf32>
    %select_n3A = arith.select %ne3A, %exp3A, %broadcast_in_dim3A_65 : vector<16xi1>, vector<16xf32>
    %swap3A_66 = arith.constant 0 : index
    %swap3A_67 = tpu.vector_load %arg18[%swap3A_66] {strides = array<i32>} : memref<64xf32, #tpu.memory_space<vmem>>, vector<16xf32>,
    tpu.vector_store %arg18[%swap3A_66], %select_n3A {strides = array<i32>} : memref<64xf32, #tpu.memory_space<vmem>>, vector<16xf32>,
    %mul3A_68 = arith.constant 1.000000e+00 : f32
    %mul3A_69 = vector.broadcast %mul3A_68 : f32 to vector<16xf32>
    %mul3A_70 = arith.mulf %select_n3A, %mul3A_69 : vector<16xf32>
    tpu.vector_store_idx %arg13[%get3A_54], %mul3A_70 {add = true} : memref<10000xf32, #tpu.memory_space<vmem>>[vector<16xi32>], vector<16xf32>,
    %get3A_71 = arith.constant 16 : index
    %get3A_72 = tpu.vector_load %arg14[%get3A_71] {strides = array<i32>} : memref<64xi32, #tpu.memory_space<vmem>>, vector<16xi32>,
    %get3A_73 = arith.constant 16 : index
    %get3A_74 = tpu.vector_load %arg16[%get3A_73] {strides = array<i32>} : memref<64xi32, #tpu.memory_space<vmem>>, vector<16xi32>,
    %gather3A_75 = tpu.vector_load_idx %arg11[%get3A_72] : memref<10000xf32, #tpu.memory_space<vmem>>[vector<16xi32>], vector<16xf32>,
    %gather3A_76 = tpu.vector_load_idx %arg10[%get3A_74] : memref<10000xf32, #tpu.memory_space<vmem>>[vector<16xi32>], vector<16xf32>,
    %add3A_77 = arith.addf %gather3A_76, %get3A_42 : vector<16xf32>
    %mul3A_78 = arith.constant 2.000000e-01 : f32
    %mul3A_79 = vector.broadcast %mul3A_78 : f32 to vector<16xf32>
    %mul3A_80 = arith.mulf %mul3A_79, %add3A_77 : vector<16xf32>
    %max3A_81 = arith.maximumf %add3A_77, %mul3A_80 : vector<16xf32>
    %add3A_82 = arith.addf %gather3A_76, %gather3A_75 : vector<16xf32>
    %mul3A_83 = arith.constant 2.000000e-01 : f32
    %mul3A_84 = vector.broadcast %mul3A_83 : f32 to vector<16xf32>
    %mul3A_85 = arith.mulf %mul3A_84, %add3A_82 : vector<16xf32>
    %max3A_86 = arith.maximumf %add3A_82, %mul3A_85 : vector<16xf32>
    %ne3A_87 = arith.cmpi ne, %get3A_72, %get3A_74 : vector<16xi32>
    %sub3A_88 = arith.subf %max3A_86, %max3A_81 : vector<16xf32>
    %exp3A_89 = math.exp %sub3A_88 : vector<16xf32>
    %jit3A_90 = arith.constant 0.000000e+00 : f32
    %broadcast_in_dim3A_91 = vector.broadcast %jit3A_90 : f32 to vector<16xf32>
    %select_n3A_92 = arith.select %ne3A_87, %exp3A_89, %broadcast_in_dim3A_91 : vector<16xi1>, vector<16xf32>
    %swap3A_93 = arith.constant 16 : index
    %swap3A_94 = tpu.vector_load %arg18[%swap3A_93] {strides = array<i32>} : memref<64xf32, #tpu.memory_space<vmem>>, vector<16xf32>,
    tpu.vector_store %arg18[%swap3A_93], %select_n3A_92 {strides = array<i32>} : memref<64xf32, #tpu.memory_space<vmem>>, vector<16xf32>,
    %mul3A_95 = arith.constant 1.000000e+00 : f32
    %mul3A_96 = vector.broadcast %mul3A_95 : f32 to vector<16xf32>
    %mul3A_97 = arith.mulf %select_n3A_92, %mul3A_96 : vector<16xf32>
    tpu.vector_store_idx %arg13[%get3A_74], %mul3A_97 {add = true} : memref<10000xf32, #tpu.memory_space<vmem>>[vector<16xi32>], vector<16xf32>,
    %get3A_98 = arith.constant 32 : index
    %get3A_99 = tpu.vector_load %arg14[%get3A_98] {strides = array<i32>} : memref<64xi32, #tpu.memory_space<vmem>>, vector<16xi32>,
    %get3A_100 = arith.constant 32 : index
    %get3A_101 = tpu.vector_load %arg16[%get3A_100] {strides = array<i32>} : memref<64xi32, #tpu.memory_space<vmem>>, vector<16xi32>,
    %gather3A_102 = tpu.vector_load_idx %arg11[%get3A_99] : memref<10000xf32, #tpu.memory_space<vmem>>[vector<16xi32>], vector<16xf32>,
    %gather3A_103 = tpu.vector_load_idx %arg10[%get3A_101] : memref<10000xf32, #tpu.memory_space<vmem>>[vector<16xi32>], vector<16xf32>,
    %add3A_104 = arith.addf %gather3A_103, %get3A_42 : vector<16xf32>
    %mul3A_105 = arith.constant 2.000000e-01 : f32
    %mul3A_106 = vector.broadcast %mul3A_105 : f32 to vector<16xf32>
    %mul3A_107 = arith.mulf %mul3A_106, %add3A_104 : vector<16xf32>
    %max3A_108 = arith.maximumf %add3A_104, %mul3A_107 : vector<16xf32>
    %add3A_109 = arith.addf %gather3A_103, %gather3A_102 : vector<16xf32>
    %mul3A_110 = arith.constant 2.000000e-01 : f32
    %mul3A_111 = vector.broadcast %mul3A_110 : f32 to vector<16xf32>
    %mul3A_112 = arith.mulf %mul3A_111, %add3A_109 : vector<16xf32>
    %max3A_113 = arith.maximumf %add3A_109, %mul3A_112 : vector<16xf32>
    %ne3A_114 = arith.cmpi ne, %get3A_99, %get3A_101 : vector<16xi32>
    %sub3A_115 = arith.subf %max3A_113, %max3A_108 : vector<16xf32>
    %exp3A_116 = math.exp %sub3A_115 : vector<16xf32>
    %jit3A_117 = arith.constant 0.000000e+00 : f32
    %broadcast_in_dim3A_118 = vector.broadcast %jit3A_117 : f32 to vector<16xf32>
    %select_n3A_119 = arith.select %ne3A_114, %exp3A_116, %broadcast_in_dim3A_118 : vector<16xi1>, vector<16xf32>
    %swap3A_120 = arith.constant 32 : index
    %swap3A_121 = tpu.vector_load %arg18[%swap3A_120] {strides = array<i32>} : memref<64xf32, #tpu.memory_space<vmem>>, vector<16xf32>,
    tpu.vector_store %arg18[%swap3A_120], %select_n3A_119 {strides = array<i32>} : memref<64xf32, #tpu.memory_space<vmem>>, vector<16xf32>,
    %mul3A_122 = arith.constant 1.000000e+00 : f32
    %mul3A_123 = vector.broadcast %mul3A_122 : f32 to vector<16xf32>
    %mul3A_124 = arith.mulf %select_n3A_119, %mul3A_123 : vector<16xf32>
    tpu.vector_store_idx %arg13[%get3A_101], %mul3A_124 {add = true} : memref<10000xf32, #tpu.memory_space<vmem>>[vector<16xi32>], vector<16xf32>,
    %get3A_125 = arith.constant 48 : index
    %get3A_126 = tpu.vector_load %arg14[%get3A_125] {strides = array<i32>} : memref<64xi32, #tpu.memory_space<vmem>>, vector<16xi32>,
    %get3A_127 = arith.constant 48 : index
    %get3A_128 = tpu.vector_load %arg16[%get3A_127] {strides = array<i32>} : memref<64xi32, #tpu.memory_space<vmem>>, vector<16xi32>,
    %gather3A_129 = tpu.vector_load_idx %arg11[%get3A_126] : memref<10000xf32, #tpu.memory_space<vmem>>[vector<16xi32>], vector<16xf32>,
    %gather3A_130 = tpu.vector_load_idx %arg10[%get3A_128] : memref<10000xf32, #tpu.memory_space<vmem>>[vector<16xi32>], vector<16xf32>,
    %add3A_131 = arith.addf %gather3A_130, %get3A_42 : vector<16xf32>
    %mul3A_132 = arith.constant 2.000000e-01 : f32
    %mul3A_133 = vector.broadcast %mul3A_132 : f32 to vector<16xf32>
    %mul3A_134 = arith.mulf %mul3A_133, %add3A_131 : vector<16xf32>
    %max3A_135 = arith.maximumf %add3A_131, %mul3A_134 : vector<16xf32>
    %add3A_136 = arith.addf %gather3A_130, %gather3A_129 : vector<16xf32>
    %mul3A_137 = arith.constant 2.000000e-01 : f32
    %mul3A_138 = vector.broadcast %mul3A_137 : f32 to vector<16xf32>
    %mul3A_139 = arith.mulf %mul3A_138, %add3A_136 : vector<16xf32>
    %max3A_140 = arith.maximumf %add3A_136, %mul3A_139 : vector<16xf32>
    %ne3A_141 = arith.cmpi ne, %get3A_126, %get3A_128 : vector<16xi32>
    %sub3A_142 = arith.subf %max3A_140, %max3A_135 : vector<16xf32>
    %exp3A_143 = math.exp %sub3A_142 : vector<16xf32>
    %jit3A_144 = arith.constant 0.000000e+00 : f32
    %broadcast_in_dim3A_145 = vector.broadcast %jit3A_144 : f32 to vector<16xf32>
    %select_n3A_146 = arith.select %ne3A_141, %exp3A_143, %broadcast_in_dim3A_145 : vector<16xi1>, vector<16xf32>
    %swap3A_147 = arith.constant 48 : index
    %swap3A_148 = tpu.vector_load %arg18[%swap3A_147] {strides = array<i32>} : memref<64xf32, #tpu.memory_space<vmem>>, vector<16xf32>,
    tpu.vector_store %arg18[%swap3A_147], %select_n3A_146 {strides = array<i32>} : memref<64xf32, #tpu.memory_space<vmem>>, vector<16xf32>,
    %mul3A_149 = arith.constant 1.000000e+00 : f32
    %mul3A_150 = vector.broadcast %mul3A_149 : f32 to vector<16xf32>
    %mul3A_151 = arith.mulf %select_n3A_146, %mul3A_150 : vector<16xf32>
    tpu.vector_store_idx %arg13[%get3A_128], %mul3A_151 {add = true} : memref<10000xf32, #tpu.memory_space<vmem>>[vector<16xi32>], vector<16xf32>,
    %scan3A_152 = arith.constant 0 : i32
    %scan3A_153 = arith.constant 0 : i32
    %scan3A_154 = arith.constant 79 : i32
    %scan3A_155 = arith.addi %scan3A_153, %scan3A_154 : i32
    %scan3A_156 = arith.constant 1 : i32
    scf.for %scan3A_196 = %scan3A_153 to %scan3A_155 step %scan3A_156  : i32 {
      %mul3A_197 = arith.constant 2 : i32
      %mul3A_198 = arith.muli %mul3A_197, %scan3A_196 : i32
      %add3A_199 = arith.constant 0 : i32
      %add3A_200 = arith.addi %mul3A_198, %add3A_199 : i32
      %add3A_201 = arith.constant 1 : i32
      %add3A_202 = arith.addi %add3A_200, %add3A_201 : i32
      %mul3A_203 = arith.constant 64 : i32
      %mul3A_204 = arith.muli %add3A_202, %mul3A_203 : i32
      %add3A_205 = arith.addi %mul3A_41, %mul3A_204 : i32
      %dma_start3A_206 = tpu.memref_slice %arg2[%add3A_205] : memref<323648xi32, #tpu.memory_space<hbm>> -> memref<64xi32, #tpu.memory_space<hbm>>
      %dma_start3A_207 = tpu.memref_slice %arg2[%add3A_205] : memref<323648xi32, #tpu.memory_space<hbm>> -> memref<64xi32, #tpu.memory_space<hbm>>
      tpu.enqueue_dma source(%dma_start3A_207 : memref<64xi32, #tpu.memory_space<hbm>>) target(%arg15 : memref<64xi32, #tpu.memory_space<vmem>>) target_semaphore(%arg24 : memref<!tpu.dma_semaphore, #tpu.memory_space<semaphore_mem>>)
      %dma_start3A_208 = tpu.memref_slice %arg3[%add3A_205] : memref<323648xi32, #tpu.memory_space<hbm>> -> memref<64xi32, #tpu.memory_space<hbm>>
      %dma_start3A_209 = tpu.memref_slice %arg3[%add3A_205] : memref<323648xi32, #tpu.memory_space<hbm>> -> memref<64xi32, #tpu.memory_space<hbm>>
      tpu.enqueue_dma source(%dma_start3A_209 : memref<64xi32, #tpu.memory_space<hbm>>) target(%arg17 : memref<64xi32, #tpu.memory_space<vmem>>) target_semaphore(%arg24 : memref<!tpu.dma_semaphore, #tpu.memory_space<semaphore_mem>>)
      %dma_wait3A_210 = tpu.memref_slice %arg2[%add3A_205] : memref<323648xi32, #tpu.memory_space<hbm>> -> memref<64xi32, #tpu.memory_space<hbm>>
      %dma_wait3A_211 = tpu.memref_slice %arg2[%add3A_205] : memref<323648xi32, #tpu.memory_space<hbm>> -> memref<64xi32, #tpu.memory_space<hbm>>
      tpu.wait_dma2 semaphore(%arg24 : memref<!tpu.dma_semaphore, #tpu.memory_space<semaphore_mem>>) src(%dma_wait3A_211 : memref<64xi32, #tpu.memory_space<hbm>>) dst(%arg15 : memref<64xi32, #tpu.memory_space<vmem>>)
      %dma_wait3A_212 = tpu.memref_slice %arg3[%add3A_205] : memref<323648xi32, #tpu.memory_space<hbm>> -> memref<64xi32, #tpu.memory_space<hbm>>
      %dma_wait3A_213 = tpu.memref_slice %arg3[%add3A_205] : memref<323648xi32, #tpu.memory_space<hbm>> -> memref<64xi32, #tpu.memory_space<hbm>>
      tpu.wait_dma2 semaphore(%arg24 : memref<!tpu.dma_semaphore, #tpu.memory_space<semaphore_mem>>) src(%dma_wait3A_213 : memref<64xi32, #tpu.memory_space<hbm>>) dst(%arg17 : memref<64xi32, #tpu.memory_space<vmem>>)
      %add3A_214 = arith.constant 1 : i32
      %add3A_215 = arith.addi %add3A_200, %add3A_214 : i32
      %lt3A = arith.constant 158 : i32
      %lt3A_216 = arith.cmpi slt, %add3A_215, %lt3A : i32
      %jit3A_217 = arith.constant 1.000000e+00 : f32
      %jit3A_218 = arith.constant 0.000000e+00 : f32
      %select_n3A_219 = arith.select %lt3A_216, %jit3A_217, %jit3A_218 : f32
      %get3A_220 = arith.constant 0 : index
      %get3A_221 = tpu.vector_load %arg15[%get3A_220] {strides = array<i32>} : memref<64xi32, #tpu.memory_space<vmem>>, vector<16xi32>,
      %get3A_222 = arith.constant 0 : index
      %get3A_223 = tpu.vector_load %arg17[%get3A_222] {strides = array<i32>} : memref<64xi32, #tpu.memory_space<vmem>>, vector<16xi32>,
      %gather3A_224 = tpu.vector_load_idx %arg11[%get3A_221] : memref<10000xf32, #tpu.memory_space<vmem>>[vector<16xi32>], vector<16xf32>,
      %gather3A_225 = tpu.vector_load_idx %arg10[%get3A_223] : memref<10000xf32, #tpu.memory_space<vmem>>[vector<16xi32>], vector<16xf32>,
      %add3A_226 = arith.addf %gather3A_225, %get3A_42 : vector<16xf32>
      %mul3A_227 = arith.constant 2.000000e-01 : f32
      %mul3A_228 = vector.broadcast %mul3A_227 : f32 to vector<16xf32>
      %mul3A_229 = arith.mulf %mul3A_228, %add3A_226 : vector<16xf32>
      %max3A_230 = arith.maximumf %add3A_226, %mul3A_229 : vector<16xf32>
      %add3A_231 = arith.addf %gather3A_225, %gather3A_224 : vector<16xf32>
      %mul3A_232 = arith.constant 2.000000e-01 : f32
      %mul3A_233 = vector.broadcast %mul3A_232 : f32 to vector<16xf32>
      %mul3A_234 = arith.mulf %mul3A_233, %add3A_231 : vector<16xf32>
      %max3A_235 = arith.maximumf %add3A_231, %mul3A_234 : vector<16xf32>
      %ne3A_236 = arith.cmpi ne, %get3A_221, %get3A_223 : vector<16xi32>
      %sub3A_237 = arith.subf %max3A_235, %max3A_230 : vector<16xf32>
      %exp3A_238 = math.exp %sub3A_237 : vector<16xf32>
      %jit3A_239 = arith.constant 0.000000e+00 : f32
      %broadcast_in_dim3A_240 = vector.broadcast %jit3A_239 : f32 to vector<16xf32>
      %select_n3A_241 = arith.select %ne3A_236, %exp3A_238, %broadcast_in_dim3A_240 : vector<16xi1>, vector<16xf32>
      %swap3A_242 = arith.constant 0 : index
      %swap3A_243 = tpu.vector_load %arg19[%swap3A_242] {strides = array<i32>} : memref<64xf32, #tpu.memory_space<vmem>>, vector<16xf32>,
      tpu.vector_store %arg19[%swap3A_242], %select_n3A_241 {strides = array<i32>} : memref<64xf32, #tpu.memory_space<vmem>>, vector<16xf32>,
      %mul3A_244 = vector.broadcast %select_n3A_219 : f32 to vector<16xf32>
      %mul3A_245 = arith.mulf %select_n3A_241, %mul3A_244 : vector<16xf32>
      tpu.vector_store_idx %arg13[%get3A_223], %mul3A_245 {add = true} : memref<10000xf32, #tpu.memory_space<vmem>>[vector<16xi32>], vector<16xf32>,
      %get3A_246 = arith.constant 16 : index
      %get3A_247 = tpu.vector_load %arg15[%get3A_246] {strides = array<i32>} : memref<64xi32, #tpu.memory_space<vmem>>, vector<16xi32>,
      %get3A_248 = arith.constant 16 : index
      %get3A_249 = tpu.vector_load %arg17[%get3A_248] {strides = array<i32>} : memref<64xi32, #tpu.memory_space<vmem>>, vector<16xi32>,
      %gather3A_250 = tpu.vector_load_idx %arg11[%get3A_247] : memref<10000xf32, #tpu.memory_space<vmem>>[vector<16xi32>], vector<16xf32>,
      %gather3A_251 = tpu.vector_load_idx %arg10[%get3A_249] : memref<10000xf32, #tpu.memory_space<vmem>>[vector<16xi32>], vector<16xf32>,
      %add3A_252 = arith.addf %gather3A_251, %get3A_42 : vector<16xf32>
      %mul3A_253 = arith.constant 2.000000e-01 : f32
      %mul3A_254 = vector.broadcast %mul3A_253 : f32 to vector<16xf32>
      %mul3A_255 = arith.mulf %mul3A_254, %add3A_252 : vector<16xf32>
      %max3A_256 = arith.maximumf %add3A_252, %mul3A_255 : vector<16xf32>
      %add3A_257 = arith.addf %gather3A_251, %gather3A_250 : vector<16xf32>
      %mul3A_258 = arith.constant 2.000000e-01 : f32
      %mul3A_259 = vector.broadcast %mul3A_258 : f32 to vector<16xf32>
      %mul3A_260 = arith.mulf %mul3A_259, %add3A_257 : vector<16xf32>
      %max3A_261 = arith.maximumf %add3A_257, %mul3A_260 : vector<16xf32>
      %ne3A_262 = arith.cmpi ne, %get3A_247, %get3A_249 : vector<16xi32>
      %sub3A_263 = arith.subf %max3A_261, %max3A_256 : vector<16xf32>
      %exp3A_264 = math.exp %sub3A_263 : vector<16xf32>
      %jit3A_265 = arith.constant 0.000000e+00 : f32
      %broadcast_in_dim3A_266 = vector.broadcast %jit3A_265 : f32 to vector<16xf32>
      %select_n3A_267 = arith.select %ne3A_262, %exp3A_264, %broadcast_in_dim3A_266 : vector<16xi1>, vector<16xf32>
      %swap3A_268 = arith.constant 16 : index
      %swap3A_269 = tpu.vector_load %arg19[%swap3A_268] {strides = array<i32>} : memref<64xf32, #tpu.memory_space<vmem>>, vector<16xf32>,
      tpu.vector_store %arg19[%swap3A_268], %select_n3A_267 {strides = array<i32>} : memref<64xf32, #tpu.memory_space<vmem>>, vector<16xf32>,
      %mul3A_270 = vector.broadcast %select_n3A_219 : f32 to vector<16xf32>
      %mul3A_271 = arith.mulf %select_n3A_267, %mul3A_270 : vector<16xf32>
      tpu.vector_store_idx %arg13[%get3A_249], %mul3A_271 {add = true} : memref<10000xf32, #tpu.memory_space<vmem>>[vector<16xi32>], vector<16xf32>,
      %get3A_272 = arith.constant 32 : index
      %get3A_273 = tpu.vector_load %arg15[%get3A_272] {strides = array<i32>} : memref<64xi32, #tpu.memory_space<vmem>>, vector<16xi32>,
      %get3A_274 = arith.constant 32 : index
      %get3A_275 = tpu.vector_load %arg17[%get3A_274] {strides = array<i32>} : memref<64xi32, #tpu.memory_space<vmem>>, vector<16xi32>,
      %gather3A_276 = tpu.vector_load_idx %arg11[%get3A_273] : memref<10000xf32, #tpu.memory_space<vmem>>[vector<16xi32>], vector<16xf32>,
      %gather3A_277 = tpu.vector_load_idx %arg10[%get3A_275] : memref<10000xf32, #tpu.memory_space<vmem>>[vector<16xi32>], vector<16xf32>,
      %add3A_278 = arith.addf %gather3A_277, %get3A_42 : vector<16xf32>
      %mul3A_279 = arith.constant 2.000000e-01 : f32
      %mul3A_280 = vector.broadcast %mul3A_279 : f32 to vector<16xf32>
      %mul3A_281 = arith.mulf %mul3A_280, %add3A_278 : vector<16xf32>
      %max3A_282 = arith.maximumf %add3A_278, %mul3A_281 : vector<16xf32>
      %add3A_283 = arith.addf %gather3A_277, %gather3A_276 : vector<16xf32>
      %mul3A_284 = arith.constant 2.000000e-01 : f32
      %mul3A_285 = vector.broadcast %mul3A_284 : f32 to vector<16xf32>
      %mul3A_286 = arith.mulf %mul3A_285, %add3A_283 : vector<16xf32>
      %max3A_287 = arith.maximumf %add3A_283, %mul3A_286 : vector<16xf32>
      %ne3A_288 = arith.cmpi ne, %get3A_273, %get3A_275 : vector<16xi32>
      %sub3A_289 = arith.subf %max3A_287, %max3A_282 : vector<16xf32>
      %exp3A_290 = math.exp %sub3A_289 : vector<16xf32>
      %jit3A_291 = arith.constant 0.000000e+00 : f32
      %broadcast_in_dim3A_292 = vector.broadcast %jit3A_291 : f32 to vector<16xf32>
      %select_n3A_293 = arith.select %ne3A_288, %exp3A_290, %broadcast_in_dim3A_292 : vector<16xi1>, vector<16xf32>
      %swap3A_294 = arith.constant 32 : index
      %swap3A_295 = tpu.vector_load %arg19[%swap3A_294] {strides = array<i32>} : memref<64xf32, #tpu.memory_space<vmem>>, vector<16xf32>,
      tpu.vector_store %arg19[%swap3A_294], %select_n3A_293 {strides = array<i32>} : memref<64xf32, #tpu.memory_space<vmem>>, vector<16xf32>,
      %mul3A_296 = vector.broadcast %select_n3A_219 : f32 to vector<16xf32>
      %mul3A_297 = arith.mulf %select_n3A_293, %mul3A_296 : vector<16xf32>
      tpu.vector_store_idx %arg13[%get3A_275], %mul3A_297 {add = true} : memref<10000xf32, #tpu.memory_space<vmem>>[vector<16xi32>], vector<16xf32>,
      %get3A_298 = arith.constant 48 : index
      %get3A_299 = tpu.vector_load %arg15[%get3A_298] {strides = array<i32>} : memref<64xi32, #tpu.memory_space<vmem>>, vector<16xi32>,
      %get3A_300 = arith.constant 48 : index
      %get3A_301 = tpu.vector_load %arg17[%get3A_300] {strides = array<i32>} : memref<64xi32, #tpu.memory_space<vmem>>, vector<16xi32>,
      %gather3A_302 = tpu.vector_load_idx %arg11[%get3A_299] : memref<10000xf32, #tpu.memory_space<vmem>>[vector<16xi32>], vector<16xf32>,
      %gather3A_303 = tpu.vector_load_idx %arg10[%get3A_301] : memref<10000xf32, #tpu.memory_space<vmem>>[vector<16xi32>], vector<16xf32>,
      %add3A_304 = arith.addf %gather3A_303, %get3A_42 : vector<16xf32>
      %mul3A_305 = arith.constant 2.000000e-01 : f32
      %mul3A_306 = vector.broadcast %mul3A_305 : f32 to vector<16xf32>
      %mul3A_307 = arith.mulf %mul3A_306, %add3A_304 : vector<16xf32>
      %max3A_308 = arith.maximumf %add3A_304, %mul3A_307 : vector<16xf32>
      %add3A_309 = arith.addf %gather3A_303, %gather3A_302 : vector<16xf32>
      %mul3A_310 = arith.constant 2.000000e-01 : f32
      %mul3A_311 = vector.broadcast %mul3A_310 : f32 to vector<16xf32>
      %mul3A_312 = arith.mulf %mul3A_311, %add3A_309 : vector<16xf32>
      %max3A_313 = arith.maximumf %add3A_309, %mul3A_312 : vector<16xf32>
      %ne3A_314 = arith.cmpi ne, %get3A_299, %get3A_301 : vector<16xi32>
      %sub3A_315 = arith.subf %max3A_313, %max3A_308 : vector<16xf32>
      %exp3A_316 = math.exp %sub3A_315 : vector<16xf32>
      %jit3A_317 = arith.constant 0.000000e+00 : f32
      %broadcast_in_dim3A_318 = vector.broadcast %jit3A_317 : f32 to vector<16xf32>
      %select_n3A_319 = arith.select %ne3A_314, %exp3A_316, %broadcast_in_dim3A_318 : vector<16xi1>, vector<16xf32>
      %swap3A_320 = arith.constant 48 : index
      %swap3A_321 = tpu.vector_load %arg19[%swap3A_320] {strides = array<i32>} : memref<64xf32, #tpu.memory_space<vmem>>, vector<16xf32>,
      tpu.vector_store %arg19[%swap3A_320], %select_n3A_319 {strides = array<i32>} : memref<64xf32, #tpu.memory_space<vmem>>, vector<16xf32>,
      %mul3A_322 = vector.broadcast %select_n3A_219 : f32 to vector<16xf32>
      %mul3A_323 = arith.mulf %select_n3A_319, %mul3A_322 : vector<16xf32>
      tpu.vector_store_idx %arg13[%get3A_301], %mul3A_323 {add = true} : memref<10000xf32, #tpu.memory_space<vmem>>[vector<16xi32>], vector<16xf32>,
      %mul3A_324 = arith.constant 2 : i32
      %mul3A_325 = arith.muli %mul3A_324, %scan3A_196 : i32
      %add3A_326 = arith.constant 1 : i32
      %add3A_327 = arith.addi %mul3A_325, %add3A_326 : i32
      %add3A_328 = arith.constant 1 : i32
      %add3A_329 = arith.addi %add3A_327, %add3A_328 : i32
      %mul3A_330 = arith.constant 64 : i32
      %mul3A_331 = arith.muli %add3A_329, %mul3A_330 : i32
      %add3A_332 = arith.addi %mul3A_41, %mul3A_331 : i32
      %dma_start3A_333 = tpu.memref_slice %arg2[%add3A_332] : memref<323648xi32, #tpu.memory_space<hbm>> -> memref<64xi32, #tpu.memory_space<hbm>>
      %dma_start3A_334 = tpu.memref_slice %arg2[%add3A_332] : memref<323648xi32, #tpu.memory_space<hbm>> -> memref<64xi32, #tpu.memory_space<hbm>>
      tpu.enqueue_dma source(%dma_start3A_334 : memref<64xi32, #tpu.memory_space<hbm>>) target(%arg14 : memref<64xi32, #tpu.memory_space<vmem>>) target_semaphore(%arg23 : memref<!tpu.dma_semaphore, #tpu.memory_space<semaphore_mem>>)
      %dma_start3A_335 = tpu.memref_slice %arg3[%add3A_332] : memref<323648xi32, #tpu.memory_space<hbm>> -> memref<64xi32, #tpu.memory_space<hbm>>
      %dma_start3A_336 = tpu.memref_slice %arg3[%add3A_332] : memref<323648xi32, #tpu.memory_space<hbm>> -> memref<64xi32, #tpu.memory_space<hbm>>
      tpu.enqueue_dma source(%dma_start3A_336 : memref<64xi32, #tpu.memory_space<hbm>>) target(%arg16 : memref<64xi32, #tpu.memory_space<vmem>>) target_semaphore(%arg23 : memref<!tpu.dma_semaphore, #tpu.memory_space<semaphore_mem>>)
      %dma_wait3A_337 = tpu.memref_slice %arg2[%add3A_332] : memref<323648xi32, #tpu.memory_space<hbm>> -> memref<64xi32, #tpu.memory_space<hbm>>
      %dma_wait3A_338 = tpu.memref_slice %arg2[%add3A_332] : memref<323648xi32, #tpu.memory_space<hbm>> -> memref<64xi32, #tpu.memory_space<hbm>>
      tpu.wait_dma2 semaphore(%arg23 : memref<!tpu.dma_semaphore, #tpu.memory_space<semaphore_mem>>) src(%dma_wait3A_338 : memref<64xi32, #tpu.memory_space<hbm>>) dst(%arg14 : memref<64xi32, #tpu.memory_space<vmem>>)
      %dma_wait3A_339 = tpu.memref_slice %arg3[%add3A_332] : memref<323648xi32, #tpu.memory_space<hbm>> -> memref<64xi32, #tpu.memory_space<hbm>>
      %dma_wait3A_340 = tpu.memref_slice %arg3[%add3A_332] : memref<323648xi32, #tpu.memory_space<hbm>> -> memref<64xi32, #tpu.memory_space<hbm>>
      tpu.wait_dma2 semaphore(%arg23 : memref<!tpu.dma_semaphore, #tpu.memory_space<semaphore_mem>>) src(%dma_wait3A_340 : memref<64xi32, #tpu.memory_space<hbm>>) dst(%arg16 : memref<64xi32, #tpu.memory_space<vmem>>)
      %add3A_341 = arith.constant 1 : i32
      %add3A_342 = arith.addi %add3A_327, %add3A_341 : i32
      %lt3A_343 = arith.constant 158 : i32
      %lt3A_344 = arith.cmpi slt, %add3A_342, %lt3A_343 : i32
      %jit3A_345 = arith.constant 1.000000e+00 : f32
      %jit3A_346 = arith.constant 0.000000e+00 : f32
      %select_n3A_347 = arith.select %lt3A_344, %jit3A_345, %jit3A_346 : f32
      %get3A_348 = arith.constant 0 : index
      %get3A_349 = tpu.vector_load %arg14[%get3A_348] {strides = array<i32>} : memref<64xi32, #tpu.memory_space<vmem>>, vector<16xi32>,
      %get3A_350 = arith.constant 0 : index
      %get3A_351 = tpu.vector_load %arg16[%get3A_350] {strides = array<i32>} : memref<64xi32, #tpu.memory_space<vmem>>, vector<16xi32>,
      %gather3A_352 = tpu.vector_load_idx %arg11[%get3A_349] : memref<10000xf32, #tpu.memory_space<vmem>>[vector<16xi32>], vector<16xf32>,
      %gather3A_353 = tpu.vector_load_idx %arg10[%get3A_351] : memref<10000xf32, #tpu.memory_space<vmem>>[vector<16xi32>], vector<16xf32>,
      %add3A_354 = arith.addf %gather3A_353, %get3A_42 : vector<16xf32>
      %mul3A_355 = arith.constant 2.000000e-01 : f32
      %mul3A_356 = vector.broadcast %mul3A_355 : f32 to vector<16xf32>
      %mul3A_357 = arith.mulf %mul3A_356, %add3A_354 : vector<16xf32>
      %max3A_358 = arith.maximumf %add3A_354, %mul3A_357 : vector<16xf32>
      %add3A_359 = arith.addf %gather3A_353, %gather3A_352 : vector<16xf32>
      %mul3A_360 = arith.constant 2.000000e-01 : f32
      %mul3A_361 = vector.broadcast %mul3A_360 : f32 to vector<16xf32>
      %mul3A_362 = arith.mulf %mul3A_361, %add3A_359 : vector<16xf32>
      %max3A_363 = arith.maximumf %add3A_359, %mul3A_362 : vector<16xf32>
      %ne3A_364 = arith.cmpi ne, %get3A_349, %get3A_351 : vector<16xi32>
      %sub3A_365 = arith.subf %max3A_363, %max3A_358 : vector<16xf32>
      %exp3A_366 = math.exp %sub3A_365 : vector<16xf32>
      %jit3A_367 = arith.constant 0.000000e+00 : f32
      %broadcast_in_dim3A_368 = vector.broadcast %jit3A_367 : f32 to vector<16xf32>
      %select_n3A_369 = arith.select %ne3A_364, %exp3A_366, %broadcast_in_dim3A_368 : vector<16xi1>, vector<16xf32>
      %swap3A_370 = arith.constant 0 : index
      %swap3A_371 = tpu.vector_load %arg18[%swap3A_370] {strides = array<i32>} : memref<64xf32, #tpu.memory_space<vmem>>, vector<16xf32>,
      tpu.vector_store %arg18[%swap3A_370], %select_n3A_369 {strides = array<i32>} : memref<64xf32, #tpu.memory_space<vmem>>, vector<16xf32>,
      %mul3A_372 = vector.broadcast %select_n3A_347 : f32 to vector<16xf32>
      %mul3A_373 = arith.mulf %select_n3A_369, %mul3A_372 : vector<16xf32>
      tpu.vector_store_idx %arg13[%get3A_351], %mul3A_373 {add = true} : memref<10000xf32, #tpu.memory_space<vmem>>[vector<16xi32>], vector<16xf32>,
      %get3A_374 = arith.constant 16 : index
      %get3A_375 = tpu.vector_load %arg14[%get3A_374] {strides = array<i32>} : memref<64xi32, #tpu.memory_space<vmem>>, vector<16xi32>,
      %get3A_376 = arith.constant 16 : index
      %get3A_377 = tpu.vector_load %arg16[%get3A_376] {strides = array<i32>} : memref<64xi32, #tpu.memory_space<vmem>>, vector<16xi32>,
      %gather3A_378 = tpu.vector_load_idx %arg11[%get3A_375] : memref<10000xf32, #tpu.memory_space<vmem>>[vector<16xi32>], vector<16xf32>,
      %gather3A_379 = tpu.vector_load_idx %arg10[%get3A_377] : memref<10000xf32, #tpu.memory_space<vmem>>[vector<16xi32>], vector<16xf32>,
      %add3A_380 = arith.addf %gather3A_379, %get3A_42 : vector<16xf32>
      %mul3A_381 = arith.constant 2.000000e-01 : f32
      %mul3A_382 = vector.broadcast %mul3A_381 : f32 to vector<16xf32>
      %mul3A_383 = arith.mulf %mul3A_382, %add3A_380 : vector<16xf32>
      %max3A_384 = arith.maximumf %add3A_380, %mul3A_383 : vector<16xf32>
      %add3A_385 = arith.addf %gather3A_379, %gather3A_378 : vector<16xf32>
      %mul3A_386 = arith.constant 2.000000e-01 : f32
      %mul3A_387 = vector.broadcast %mul3A_386 : f32 to vector<16xf32>
      %mul3A_388 = arith.mulf %mul3A_387, %add3A_385 : vector<16xf32>
      %max3A_389 = arith.maximumf %add3A_385, %mul3A_388 : vector<16xf32>
      %ne3A_390 = arith.cmpi ne, %get3A_375, %get3A_377 : vector<16xi32>
      %sub3A_391 = arith.subf %max3A_389, %max3A_384 : vector<16xf32>
      %exp3A_392 = math.exp %sub3A_391 : vector<16xf32>
      %jit3A_393 = arith.constant 0.000000e+00 : f32
      %broadcast_in_dim3A_394 = vector.broadcast %jit3A_393 : f32 to vector<16xf32>
      %select_n3A_395 = arith.select %ne3A_390, %exp3A_392, %broadcast_in_dim3A_394 : vector<16xi1>, vector<16xf32>
      %swap3A_396 = arith.constant 16 : index
      %swap3A_397 = tpu.vector_load %arg18[%swap3A_396] {strides = array<i32>} : memref<64xf32, #tpu.memory_space<vmem>>, vector<16xf32>,
      tpu.vector_store %arg18[%swap3A_396], %select_n3A_395 {strides = array<i32>} : memref<64xf32, #tpu.memory_space<vmem>>, vector<16xf32>,
      %mul3A_398 = vector.broadcast %select_n3A_347 : f32 to vector<16xf32>
      %mul3A_399 = arith.mulf %select_n3A_395, %mul3A_398 : vector<16xf32>
      tpu.vector_store_idx %arg13[%get3A_377], %mul3A_399 {add = true} : memref<10000xf32, #tpu.memory_space<vmem>>[vector<16xi32>], vector<16xf32>,
      %get3A_400 = arith.constant 32 : index
      %get3A_401 = tpu.vector_load %arg14[%get3A_400] {strides = array<i32>} : memref<64xi32, #tpu.memory_space<vmem>>, vector<16xi32>,
      %get3A_402 = arith.constant 32 : index
      %get3A_403 = tpu.vector_load %arg16[%get3A_402] {strides = array<i32>} : memref<64xi32, #tpu.memory_space<vmem>>, vector<16xi32>,
      %gather3A_404 = tpu.vector_load_idx %arg11[%get3A_401] : memref<10000xf32, #tpu.memory_space<vmem>>[vector<16xi32>], vector<16xf32>,
      %gather3A_405 = tpu.vector_load_idx %arg10[%get3A_403] : memref<10000xf32, #tpu.memory_space<vmem>>[vector<16xi32>], vector<16xf32>,
      %add3A_406 = arith.addf %gather3A_405, %get3A_42 : vector<16xf32>
      %mul3A_407 = arith.constant 2.000000e-01 : f32
      %mul3A_408 = vector.broadcast %mul3A_407 : f32 to vector<16xf32>
      %mul3A_409 = arith.mulf %mul3A_408, %add3A_406 : vector<16xf32>
      %max3A_410 = arith.maximumf %add3A_406, %mul3A_409 : vector<16xf32>
      %add3A_411 = arith.addf %gather3A_405, %gather3A_404 : vector<16xf32>
      %mul3A_412 = arith.constant 2.000000e-01 : f32
      %mul3A_413 = vector.broadcast %mul3A_412 : f32 to vector<16xf32>
      %mul3A_414 = arith.mulf %mul3A_413, %add3A_411 : vector<16xf32>
      %max3A_415 = arith.maximumf %add3A_411, %mul3A_414 : vector<16xf32>
      %ne3A_416 = arith.cmpi ne, %get3A_401, %get3A_403 : vector<16xi32>
      %sub3A_417 = arith.subf %max3A_415, %max3A_410 : vector<16xf32>
      %exp3A_418 = math.exp %sub3A_417 : vector<16xf32>
      %jit3A_419 = arith.constant 0.000000e+00 : f32
      %broadcast_in_dim3A_420 = vector.broadcast %jit3A_419 : f32 to vector<16xf32>
      %select_n3A_421 = arith.select %ne3A_416, %exp3A_418, %broadcast_in_dim3A_420 : vector<16xi1>, vector<16xf32>
      %swap3A_422 = arith.constant 32 : index
      %swap3A_423 = tpu.vector_load %arg18[%swap3A_422] {strides = array<i32>} : memref<64xf32, #tpu.memory_space<vmem>>, vector<16xf32>,
      tpu.vector_store %arg18[%swap3A_422], %select_n3A_421 {strides = array<i32>} : memref<64xf32, #tpu.memory_space<vmem>>, vector<16xf32>,
      %mul3A_424 = vector.broadcast %select_n3A_347 : f32 to vector<16xf32>
      %mul3A_425 = arith.mulf %select_n3A_421, %mul3A_424 : vector<16xf32>
      tpu.vector_store_idx %arg13[%get3A_403], %mul3A_425 {add = true} : memref<10000xf32, #tpu.memory_space<vmem>>[vector<16xi32>], vector<16xf32>,
      %get3A_426 = arith.constant 48 : index
      %get3A_427 = tpu.vector_load %arg14[%get3A_426] {strides = array<i32>} : memref<64xi32, #tpu.memory_space<vmem>>, vector<16xi32>,
      %get3A_428 = arith.constant 48 : index
      %get3A_429 = tpu.vector_load %arg16[%get3A_428] {strides = array<i32>} : memref<64xi32, #tpu.memory_space<vmem>>, vector<16xi32>,
      %gather3A_430 = tpu.vector_load_idx %arg11[%get3A_427] : memref<10000xf32, #tpu.memory_space<vmem>>[vector<16xi32>], vector<16xf32>,
      %gather3A_431 = tpu.vector_load_idx %arg10[%get3A_429] : memref<10000xf32, #tpu.memory_space<vmem>>[vector<16xi32>], vector<16xf32>,
      %add3A_432 = arith.addf %gather3A_431, %get3A_42 : vector<16xf32>
      %mul3A_433 = arith.constant 2.000000e-01 : f32
      %mul3A_434 = vector.broadcast %mul3A_433 : f32 to vector<16xf32>
      %mul3A_435 = arith.mulf %mul3A_434, %add3A_432 : vector<16xf32>
      %max3A_436 = arith.maximumf %add3A_432, %mul3A_435 : vector<16xf32>
      %add3A_437 = arith.addf %gather3A_431, %gather3A_430 : vector<16xf32>
      %mul3A_438 = arith.constant 2.000000e-01 : f32
      %mul3A_439 = vector.broadcast %mul3A_438 : f32 to vector<16xf32>
      %mul3A_440 = arith.mulf %mul3A_439, %add3A_437 : vector<16xf32>
      %max3A_441 = arith.maximumf %add3A_437, %mul3A_440 : vector<16xf32>
      %ne3A_442 = arith.cmpi ne, %get3A_427, %get3A_429 : vector<16xi32>
      %sub3A_443 = arith.subf %max3A_441, %max3A_436 : vector<16xf32>
      %exp3A_444 = math.exp %sub3A_443 : vector<16xf32>
      %jit3A_445 = arith.constant 0.000000e+00 : f32
      %broadcast_in_dim3A_446 = vector.broadcast %jit3A_445 : f32 to vector<16xf32>
      %select_n3A_447 = arith.select %ne3A_442, %exp3A_444, %broadcast_in_dim3A_446 : vector<16xi1>, vector<16xf32>
      %swap3A_448 = arith.constant 48 : index
      %swap3A_449 = tpu.vector_load %arg18[%swap3A_448] {strides = array<i32>} : memref<64xf32, #tpu.memory_space<vmem>>, vector<16xf32>,
      tpu.vector_store %arg18[%swap3A_448], %select_n3A_447 {strides = array<i32>} : memref<64xf32, #tpu.memory_space<vmem>>, vector<16xf32>,
      %mul3A_450 = vector.broadcast %select_n3A_347 : f32 to vector<16xf32>
      %mul3A_451 = arith.mulf %select_n3A_447, %mul3A_450 : vector<16xf32>
      tpu.vector_store_idx %arg13[%get3A_429], %mul3A_451 {add = true} : memref<10000xf32, #tpu.memory_space<vmem>>[vector<16xi32>], vector<16xf32>,
    }
    %scan3A_157 = arith.constant 79 : i32
    %barrier3A_158 = arith.constant 0 : index
    tpu.barrier barrier_id(%barrier3A_158)
    %add3A_159 = arith.constant 0 : i32
    %add3A_160 = arith.addi %mul3A_29, %add3A_159 : i32
    %mul3A_161 = arith.constant 10240 : i32
    %mul3A_162 = arith.muli %arg0, %mul3A_161 : i32
    %add3A_163 = arith.addi %mul3A_162, %mul3A_29 : i32
    %add3A_164 = arith.constant 0 : i32
    %add3A_165 = arith.addi %add3A_163, %add3A_164 : i32
    "tpu.region"() ({
      %run_scoped3A = tpu.sem_alloc : memref<!tpu.dma_semaphore, #tpu.memory_space<semaphore_mem>>
      %dma_start3A_196 = arith.constant 0 : i32
      %dma_start3A_197 = tpu.memref_slice %arg8[%add3A_165, %dma_start3A_196] : memref<20480x128xf32, #tpu.memory_space<hbm>> -> memref<128x128xf32, #tpu.memory_space<hbm>>
      %dma_start3A_198 = arith.constant 0 : i32
      %dma_start3A_199 = tpu.memref_slice %arg22[%add3A_160, %dma_start3A_198] : memref<10240x128xf32, #tpu.memory_space<vmem_shared>> -> memref<128x128xf32, #tpu.memory_space<vmem_shared>>
      tpu.enqueue_dma source(%dma_start3A_199 : memref<128x128xf32, #tpu.memory_space<vmem_shared>>) target(%dma_start3A_197 : memref<128x128xf32, #tpu.memory_space<hbm>>) target_semaphore(%run_scoped3A : memref<!tpu.dma_semaphore, #tpu.memory_space<semaphore_mem>>)
      %dma_wait3A_200 = arith.constant 0 : i32
      %dma_wait3A_201 = tpu.memref_slice %arg8[%add3A_165, %dma_wait3A_200] : memref<20480x128xf32, #tpu.memory_space<hbm>> -> memref<128x128xf32, #tpu.memory_space<hbm>>
      %dma_wait3A_202 = arith.constant 0 : i32
      %dma_wait3A_203 = tpu.memref_slice %arg22[%add3A_160, %dma_wait3A_202] : memref<10240x128xf32, #tpu.memory_space<vmem_shared>> -> memref<128x128xf32, #tpu.memory_space<vmem_shared>>
      tpu.wait_dma2 semaphore(%run_scoped3A : memref<!tpu.dma_semaphore, #tpu.memory_space<semaphore_mem>>) src(%dma_wait3A_203 : memref<128x128xf32, #tpu.memory_space<vmem_shared>>) dst(%dma_wait3A_201 : memref<128x128xf32, #tpu.memory_space<hbm>>)
      tpu.yield
    }) : () -> ()
    %add3A_166 = arith.constant 128 : i32
    %add3A_167 = arith.addi %mul3A_29, %add3A_166 : i32
    %mul3A_168 = arith.constant 10240 : i32
    %mul3A_169 = arith.muli %arg0, %mul3A_168 : i32
    %add3A_170 = arith.addi %mul3A_169, %mul3A_29 : i32
    %add3A_171 = arith.constant 128 : i32
    %add3A_172 = arith.addi %add3A_170, %add3A_171 : i32
    "tpu.region"() ({
      %run_scoped3A = tpu.sem_alloc : memref<!tpu.dma_semaphore, #tpu.memory_space<semaphore_mem>>
      %dma_start3A_196 = arith.constant 0 : i32
      %dma_start3A_197 = tpu.memref_slice %arg8[%add3A_172, %dma_start3A_196] : memref<20480x128xf32, #tpu.memory_space<hbm>> -> memref<128x128xf32, #tpu.memory_space<hbm>>
      %dma_start3A_198 = arith.constant 0 : i32
      %dma_start3A_199 = tpu.memref_slice %arg22[%add3A_167, %dma_start3A_198] : memref<10240x128xf32, #tpu.memory_space<vmem_shared>> -> memref<128x128xf32, #tpu.memory_space<vmem_shared>>
      tpu.enqueue_dma source(%dma_start3A_199 : memref<128x128xf32, #tpu.memory_space<vmem_shared>>) target(%dma_start3A_197 : memref<128x128xf32, #tpu.memory_space<hbm>>) target_semaphore(%run_scoped3A : memref<!tpu.dma_semaphore, #tpu.memory_space<semaphore_mem>>)
      %dma_wait3A_200 = arith.constant 0 : i32
      %dma_wait3A_201 = tpu.memref_slice %arg8[%add3A_172, %dma_wait3A_200] : memref<20480x128xf32, #tpu.memory_space<hbm>> -> memref<128x128xf32, #tpu.memory_space<hbm>>
      %dma_wait3A_202 = arith.constant 0 : i32
      %dma_wait3A_203 = tpu.memref_slice %arg22[%add3A_167, %dma_wait3A_202] : memref<10240x128xf32, #tpu.memory_space<vmem_shared>> -> memref<128x128xf32, #tpu.memory_space<vmem_shared>>
      tpu.wait_dma2 semaphore(%run_scoped3A : memref<!tpu.dma_semaphore, #tpu.memory_space<semaphore_mem>>) src(%dma_wait3A_203 : memref<128x128xf32, #tpu.memory_space<vmem_shared>>) dst(%dma_wait3A_201 : memref<128x128xf32, #tpu.memory_space<hbm>>)
      tpu.yield
    }) : () -> ()
    %add3A_173 = arith.constant 256 : i32
    %add3A_174 = arith.addi %mul3A_29, %add3A_173 : i32
    %mul3A_175 = arith.constant 10240 : i32
    %mul3A_176 = arith.muli %arg0, %mul3A_175 : i32
    %add3A_177 = arith.addi %mul3A_176, %mul3A_29 : i32
    %add3A_178 = arith.constant 256 : i32
    %add3A_179 = arith.addi %add3A_177, %add3A_178 : i32
    "tpu.region"() ({
      %run_scoped3A = tpu.sem_alloc : memref<!tpu.dma_semaphore, #tpu.memory_space<semaphore_mem>>
      %dma_start3A_196 = arith.constant 0 : i32
      %dma_start3A_197 = tpu.memref_slice %arg8[%add3A_179, %dma_start3A_196] : memref<20480x128xf32, #tpu.memory_space<hbm>> -> memref<128x128xf32, #tpu.memory_space<hbm>>
      %dma_start3A_198 = arith.constant 0 : i32
      %dma_start3A_199 = tpu.memref_slice %arg22[%add3A_174, %dma_start3A_198] : memref<10240x128xf32, #tpu.memory_space<vmem_shared>> -> memref<128x128xf32, #tpu.memory_space<vmem_shared>>
      tpu.enqueue_dma source(%dma_start3A_199 : memref<128x128xf32, #tpu.memory_space<vmem_shared>>) target(%dma_start3A_197 : memref<128x128xf32, #tpu.memory_space<hbm>>) target_semaphore(%run_scoped3A : memref<!tpu.dma_semaphore, #tpu.memory_space<semaphore_mem>>)
      %dma_wait3A_200 = arith.constant 0 : i32
      %dma_wait3A_201 = tpu.memref_slice %arg8[%add3A_179, %dma_wait3A_200] : memref<20480x128xf32, #tpu.memory_space<hbm>> -> memref<128x128xf32, #tpu.memory_space<hbm>>
      %dma_wait3A_202 = arith.constant 0 : i32
      %dma_wait3A_203 = tpu.memref_slice %arg22[%add3A_174, %dma_wait3A_202] : memref<10240x128xf32, #tpu.memory_space<vmem_shared>> -> memref<128x128xf32, #tpu.memory_space<vmem_shared>>
      tpu.wait_dma2 semaphore(%run_scoped3A : memref<!tpu.dma_semaphore, #tpu.memory_space<semaphore_mem>>) src(%dma_wait3A_203 : memref<128x128xf32, #tpu.memory_space<vmem_shared>>) dst(%dma_wait3A_201 : memref<128x128xf32, #tpu.memory_space<hbm>>)
      tpu.yield
    }) : () -> ()
    %add3A_180 = arith.constant 384 : i32
    %add3A_181 = arith.addi %mul3A_29, %add3A_180 : i32
    %mul3A_182 = arith.constant 10240 : i32
    %mul3A_183 = arith.muli %arg0, %mul3A_182 : i32
    %add3A_184 = arith.addi %mul3A_183, %mul3A_29 : i32
    %add3A_185 = arith.constant 384 : i32
    %add3A_186 = arith.addi %add3A_184, %add3A_185 : i32
    "tpu.region"() ({
      %run_scoped3A = tpu.sem_alloc : memref<!tpu.dma_semaphore, #tpu.memory_space<semaphore_mem>>
      %dma_start3A_196 = arith.constant 0 : i32
      %dma_start3A_197 = tpu.memref_slice %arg8[%add3A_186, %dma_start3A_196] : memref<20480x128xf32, #tpu.memory_space<hbm>> -> memref<128x128xf32, #tpu.memory_space<hbm>>
      %dma_start3A_198 = arith.constant 0 : i32
      %dma_start3A_199 = tpu.memref_slice %arg22[%add3A_181, %dma_start3A_198] : memref<10240x128xf32, #tpu.memory_space<vmem_shared>> -> memref<128x128xf32, #tpu.memory_space<vmem_shared>>
      tpu.enqueue_dma source(%dma_start3A_199 : memref<128x128xf32, #tpu.memory_space<vmem_shared>>) target(%dma_start3A_197 : memref<128x128xf32, #tpu.memory_space<hbm>>) target_semaphore(%run_scoped3A : memref<!tpu.dma_semaphore, #tpu.memory_space<semaphore_mem>>)
      %dma_wait3A_200 = arith.constant 0 : i32
      %dma_wait3A_201 = tpu.memref_slice %arg8[%add3A_186, %dma_wait3A_200] : memref<20480x128xf32, #tpu.memory_space<hbm>> -> memref<128x128xf32, #tpu.memory_space<hbm>>
      %dma_wait3A_202 = arith.constant 0 : i32
      %dma_wait3A_203 = tpu.memref_slice %arg22[%add3A_181, %dma_wait3A_202] : memref<10240x128xf32, #tpu.memory_space<vmem_shared>> -> memref<128x128xf32, #tpu.memory_space<vmem_shared>>
      tpu.wait_dma2 semaphore(%run_scoped3A : memref<!tpu.dma_semaphore, #tpu.memory_space<semaphore_mem>>) src(%dma_wait3A_203 : memref<128x128xf32, #tpu.memory_space<vmem_shared>>) dst(%dma_wait3A_201 : memref<128x128xf32, #tpu.memory_space<hbm>>)
      tpu.yield
    }) : () -> ()
    %add3A_187 = arith.constant 512 : i32
    %add3A_188 = arith.addi %mul3A_29, %add3A_187 : i32
    %mul3A_189 = arith.constant 10240 : i32
    %mul3A_190 = arith.muli %arg0, %mul3A_189 : i32
    %add3A_191 = arith.addi %mul3A_190, %mul3A_29 : i32
    %add3A_192 = arith.constant 512 : i32
    %add3A_193 = arith.addi %add3A_191, %add3A_192 : i32
    "tpu.region"() ({
      %run_scoped3A = tpu.sem_alloc : memref<!tpu.dma_semaphore, #tpu.memory_space<semaphore_mem>>
      %dma_start3A_196 = arith.constant 0 : i32
      %dma_start3A_197 = tpu.memref_slice %arg8[%add3A_193, %dma_start3A_196] : memref<20480x128xf32, #tpu.memory_space<hbm>> -> memref<128x128xf32, #tpu.memory_space<hbm>>
      %dma_start3A_198 = arith.constant 0 : i32
      %dma_start3A_199 = tpu.memref_slice %arg22[%add3A_188, %dma_start3A_198] : memref<10240x128xf32, #tpu.memory_space<vmem_shared>> -> memref<128x128xf32, #tpu.memory_space<vmem_shared>>
      tpu.enqueue_dma source(%dma_start3A_199 : memref<128x128xf32, #tpu.memory_space<vmem_shared>>) target(%dma_start3A_197 : memref<128x128xf32, #tpu.memory_space<hbm>>) target_semaphore(%run_scoped3A : memref<!tpu.dma_semaphore, #tpu.memory_space<semaphore_mem>>)
      %dma_wait3A_200 = arith.constant 0 : i32
      %dma_wait3A_201 = tpu.memref_slice %arg8[%add3A_193, %dma_wait3A_200] : memref<20480x128xf32, #tpu.memory_space<hbm>> -> memref<128x128xf32, #tpu.memory_space<hbm>>
      %dma_wait3A_202 = arith.constant 0 : i32
      %dma_wait3A_203 = tpu.memref_slice %arg22[%add3A_188, %dma_wait3A_202] : memref<10240x128xf32, #tpu.memory_space<vmem_shared>> -> memref<128x128xf32, #tpu.memory_space<vmem_shared>>
      tpu.wait_dma2 semaphore(%run_scoped3A : memref<!tpu.dma_semaphore, #tpu.memory_space<semaphore_mem>>) src(%dma_wait3A_203 : memref<128x128xf32, #tpu.memory_space<vmem_shared>>) dst(%dma_wait3A_201 : memref<128x128xf32, #tpu.memory_space<hbm>>)
      tpu.yield
    }) : () -> ()
    %mul3A_194 = arith.constant 10000 : i32
    %mul3A_195 = arith.muli %add3A, %mul3A_194 : i32
    "tpu.region"() ({
      %run_scoped3A = tpu.sem_alloc : memref<!tpu.dma_semaphore, #tpu.memory_space<semaphore_mem>>
      %dma_start3A_196 = tpu.memref_slice %arg9[%mul3A_195] : memref<320000xf32, #tpu.memory_space<hbm>> -> memref<10000xf32, #tpu.memory_space<hbm>>
      %dma_start3A_197 = tpu.memref_slice %arg9[%mul3A_195] : memref<320000xf32, #tpu.memory_space<hbm>> -> memref<10000xf32, #tpu.memory_space<hbm>>
      tpu.enqueue_dma source(%arg13 : memref<10000xf32, #tpu.memory_space<vmem>>) target(%dma_start3A_197 : memref<10000xf32, #tpu.memory_space<hbm>>) target_semaphore(%run_scoped3A : memref<!tpu.dma_semaphore, #tpu.memory_space<semaphore_mem>>)
      %dma_wait3A_198 = tpu.memref_slice %arg9[%mul3A_195] : memref<320000xf32, #tpu.memory_space<hbm>> -> memref<10000xf32, #tpu.memory_space<hbm>>
      %dma_wait3A_199 = tpu.memref_slice %arg9[%mul3A_195] : memref<320000xf32, #tpu.memory_space<hbm>> -> memref<10000xf32, #tpu.memory_space<hbm>>
      tpu.wait_dma2 semaphore(%run_scoped3A : memref<!tpu.dma_semaphore, #tpu.memory_space<semaphore_mem>>) src(%arg13 : memref<10000xf32, #tpu.memory_space<vmem>>) dst(%dma_wait3A_199 : memref<10000xf32, #tpu.memory_space<hbm>>)
      tpu.yield
    }) : () -> ()
    return
  }
}

module attributes {stable_mosaic.version = 14 : i64} {
  func.func @_prep_body(%arg0: memref<10000x128xf32, #tpu.memory_space<vmem>>, %arg1: memref<10000x128xf32, #tpu.memory_space<vmem>>, %arg2: memref<128x128xf32, #tpu.memory_space<vmem>>, %arg3: memref<128x1xf32, #tpu.memory_space<vmem>>, %arg4: memref<128x1xf32, #tpu.memory_space<vmem>>, %arg5: memref<128x1xf32, #tpu.memory_space<vmem>>, %arg6: memref<128x1xf32, #tpu.memory_space<vmem>>, %arg7: memref<10000x128xf32, #tpu.memory_space<vmem>>, %arg8: memref<10000x1xf32, #tpu.memory_space<vmem>>, %arg9: memref<10000x1xf32, #tpu.memory_space<vmem>>, %arg10: memref<8x16xf32, #tpu.memory_space<vmem>>, %arg11: memref<10000x1xf32, #tpu.memory_space<vmem>>) attributes {dimension_semantics = [], scalar_prefetch = 0 : i64, scratch_operands = 0 : i64, tpu.core_type = #tpu.core_type<tc>} {
    %get3A = arith.constant 0 : index
    %get3A_0 = arith.constant 0 : index
    %get3A_1 = vector.load %arg0[%get3A, %get3A_0] : memref<10000x128xf32, #tpu.memory_space<vmem>>, vector<10000x128xf32>
    %get3A_2 = arith.constant 0 : index
    %get3A_3 = arith.constant 0 : index
    %get3A_4 = vector.load %arg2[%get3A_2, %get3A_3] : memref<128x128xf32, #tpu.memory_space<vmem>>, vector<128x128xf32>
    %dot_general3A = arith.constant dense<0.000000e+00> : vector<10000x128xf32>
    %dot_general3A_5 = tpu.matmul %get3A_1, %get3A_4, %dot_general3A {dimension_numbers = #tpu.dot_dimension_numbers<[1], [0], [0], [1], [0, 0, 1, 1], [], []>, transpose_lhs_hint = false} : vector<10000x128xf32>, vector<128x128xf32>, vector<10000x128xf32> -> vector<10000x128xf32>
    %swap3A = arith.constant 0 : index
    %swap3A_6 = arith.constant 0 : index
    %swap3A_7 = vector.load %arg7[%swap3A, %swap3A_6] : memref<10000x128xf32, #tpu.memory_space<vmem>>, vector<10000x128xf32>
    tpu.vector_store %arg7[%swap3A, %swap3A_6], %dot_general3A_5 {strides = array<i32>} : memref<10000x128xf32, #tpu.memory_space<vmem>>, vector<10000x128xf32>,
    %get3A_8 = arith.constant 0 : index
    %get3A_9 = arith.constant 0 : index
    %get3A_10 = vector.load %arg1[%get3A_8, %get3A_9] : memref<10000x128xf32, #tpu.memory_space<vmem>>, vector<10000x128xf32>
    %get3A_11 = arith.constant 0 : index
    %get3A_12 = arith.constant 0 : index
    %get3A_13 = vector.load %arg3[%get3A_11, %get3A_12] : memref<128x1xf32, #tpu.memory_space<vmem>>, vector<128x1xf32>
    %dot_general3A_14 = arith.constant dense<0.000000e+00> : vector<10000x1xf32>
    %dot_general3A_15 = tpu.matmul %dot_general3A_5, %get3A_13, %dot_general3A_14 {dimension_numbers = #tpu.dot_dimension_numbers<[1], [0], [0], [1], [0, 0, 1, 1], [], []>, transpose_lhs_hint = false} : vector<10000x128xf32>, vector<128x1xf32>, vector<10000x1xf32> -> vector<10000x1xf32>
    %get3A_16 = arith.constant 0 : index
    %get3A_17 = arith.constant 0 : index
    %get3A_18 = vector.load %arg4[%get3A_16, %get3A_17] : memref<128x1xf32, #tpu.memory_space<vmem>>, vector<128x1xf32>
    %dot_general3A_19 = arith.constant dense<0.000000e+00> : vector<10000x1xf32>
    %dot_general3A_20 = tpu.matmul %get3A_10, %get3A_18, %dot_general3A_19 {dimension_numbers = #tpu.dot_dimension_numbers<[1], [0], [0], [1], [0, 0, 1, 1], [], []>, transpose_lhs_hint = false} : vector<10000x128xf32>, vector<128x1xf32>, vector<10000x1xf32> -> vector<10000x1xf32>
    %add3A = arith.addf %dot_general3A_15, %dot_general3A_20 : vector<10000x1xf32>
    %get3A_21 = arith.constant 0 : index
    %get3A_22 = arith.constant 0 : index
    %get3A_23 = vector.load %arg5[%get3A_21, %get3A_22] : memref<128x1xf32, #tpu.memory_space<vmem>>, vector<128x1xf32>
    %dot_general3A_24 = arith.constant dense<0.000000e+00> : vector<10000x1xf32>
    %dot_general3A_25 = tpu.matmul %dot_general3A_5, %get3A_23, %dot_general3A_24 {dimension_numbers = #tpu.dot_dimension_numbers<[1], [0], [0], [1], [0, 0, 1, 1], [], []>, transpose_lhs_hint = false} : vector<10000x128xf32>, vector<128x1xf32>, vector<10000x1xf32> -> vector<10000x1xf32>
    %get3A_26 = arith.constant 0 : index
    %get3A_27 = arith.constant 0 : index
    %get3A_28 = vector.load %arg6[%get3A_26, %get3A_27] : memref<128x1xf32, #tpu.memory_space<vmem>>, vector<128x1xf32>
    %dot_general3A_29 = arith.constant dense<0.000000e+00> : vector<10000x1xf32>
    %dot_general3A_30 = tpu.matmul %get3A_10, %get3A_28, %dot_general3A_29 {dimension_numbers = #tpu.dot_dimension_numbers<[1], [0], [0], [1], [0, 0, 1, 1], [], []>, transpose_lhs_hint = false} : vector<10000x128xf32>, vector<128x1xf32>, vector<10000x1xf32> -> vector<10000x1xf32>
    %add3A_31 = arith.addf %dot_general3A_25, %dot_general3A_30 : vector<10000x1xf32>
    %reduce_max3A = vector.shape_cast %add3A_31 : vector<10000x1xf32> to vector<1x10000x1xf32>
    %reduce_max3A_32 = arith.constant dense<0xFF800000> : vector<1xf32>
    %reduce_max3A_33 = vector.multi_reduction <maximumf>, %reduce_max3A, %reduce_max3A_32 [1, 2] : vector<1x10000x1xf32> to vector<1xf32>
    %reduce_max3A_34 = vector.shape_cast %reduce_max3A_33 : vector<1xf32> to vector<1x1x1xf32>
    %reduce_max3A_35 = vector.extract %reduce_max3A_34[0, 0, 0] : f32 from vector<1x1x1xf32>
    %add3A_36 = vector.broadcast %reduce_max3A_35 : f32 to vector<10000x1xf32>
    %add3A_37 = arith.addf %add3A, %add3A_36 : vector<10000x1xf32>
    %mul3A = arith.constant 2.000000e-01 : f32
    %mul3A_38 = vector.broadcast %mul3A : f32 to vector<10000x1xf32>
    %mul3A_39 = arith.mulf %mul3A_38, %add3A_37 : vector<10000x1xf32>
    %max3A = arith.maximumf %add3A_37, %mul3A_39 : vector<10000x1xf32>
    %add3A_40 = arith.addf %add3A, %add3A_31 : vector<10000x1xf32>
    %mul3A_41 = arith.constant 2.000000e-01 : f32
    %mul3A_42 = vector.broadcast %mul3A_41 : f32 to vector<10000x1xf32>
    %mul3A_43 = arith.mulf %mul3A_42, %add3A_40 : vector<10000x1xf32>
    %max3A_44 = arith.maximumf %add3A_40, %mul3A_43 : vector<10000x1xf32>
    %swap3A_45 = arith.constant 0 : index
    %swap3A_46 = arith.constant 0 : index
    %swap3A_47 = vector.load %arg8[%swap3A_45, %swap3A_46] : memref<10000x1xf32, #tpu.memory_space<vmem>>, vector<10000x1xf32>
    tpu.vector_store %arg8[%swap3A_45, %swap3A_46], %add3A {strides = array<i32>} : memref<10000x1xf32, #tpu.memory_space<vmem>>, vector<10000x1xf32>,
    %swap3A_48 = arith.constant 0 : index
    %swap3A_49 = arith.constant 0 : index
    %swap3A_50 = vector.load %arg9[%swap3A_48, %swap3A_49] : memref<10000x1xf32, #tpu.memory_space<vmem>>, vector<10000x1xf32>
    tpu.vector_store %arg9[%swap3A_48, %swap3A_49], %add3A_31 {strides = array<i32>} : memref<10000x1xf32, #tpu.memory_space<vmem>>, vector<10000x1xf32>,
    %broadcast_in_dim3A = vector.broadcast %reduce_max3A_35 : f32 to vector<8x16xf32>
    %swap3A_51 = arith.constant 0 : index
    %swap3A_52 = arith.constant 0 : index
    %swap3A_53 = vector.load %arg10[%swap3A_51, %swap3A_52] : memref<8x16xf32, #tpu.memory_space<vmem>>, vector<8x16xf32>
    tpu.vector_store %arg10[%swap3A_51, %swap3A_52], %broadcast_in_dim3A {strides = array<i32>} : memref<8x16xf32, #tpu.memory_space<vmem>>, vector<8x16xf32>,
    %sub3A = arith.subf %max3A_44, %max3A : vector<10000x1xf32>
    %exp3A = math.exp %sub3A : vector<10000x1xf32>
    %swap3A_54 = arith.constant 0 : index
    %swap3A_55 = arith.constant 0 : index
    %swap3A_56 = vector.load %arg11[%swap3A_54, %swap3A_55] : memref<10000x1xf32, #tpu.memory_space<vmem>>, vector<10000x1xf32>
    tpu.vector_store %arg11[%swap3A_54, %swap3A_55], %exp3A {strides = array<i32>} : memref<10000x1xf32, #tpu.memory_space<vmem>>, vector<10000x1xf32>,
    return
  }
}

module attributes {stable_mosaic.version = 14 : i64} {
  func.func @_fin_body(%arg0: memref<2x10000x128xf32, #tpu.memory_space<vmem>>, %arg1: memref<10000x32xf32, #tpu.memory_space<vmem>>, %arg2: memref<10000x1xf32, #tpu.memory_space<vmem>>, %arg3: memref<10000x128xf32, #tpu.memory_space<vmem>>, %arg4: memref<1x128xf32, #tpu.memory_space<vmem>>, %arg5: memref<1x128xf32, #tpu.memory_space<vmem>>, %arg6: memref<1x128xf32, #tpu.memory_space<vmem>>, %arg7: memref<10000x128xf32, #tpu.memory_space<vmem>>) attributes {dimension_semantics = [], scalar_prefetch = 0 : i64, scratch_operands = 0 : i64, tpu.core_type = #tpu.core_type<tc>} {
    %get3A = arith.constant 0 : index
    %get3A_0 = arith.constant 0 : index
    %get3A_1 = arith.constant 0 : index
    %get3A_2 = vector.load %arg0[%get3A, %get3A_0, %get3A_1] : memref<2x10000x128xf32, #tpu.memory_space<vmem>>, vector<1x10000x128xf32>
    %get3A_3 = vector.shape_cast %get3A_2 : vector<1x10000x128xf32> to vector<10000x128xf32>
    %get3A_4 = arith.constant 1 : index
    %get3A_5 = arith.constant 0 : index
    %get3A_6 = arith.constant 0 : index
    %get3A_7 = vector.load %arg0[%get3A_4, %get3A_5, %get3A_6] : memref<2x10000x128xf32, #tpu.memory_space<vmem>>, vector<1x10000x128xf32>
    %get3A_8 = vector.shape_cast %get3A_7 : vector<1x10000x128xf32> to vector<10000x128xf32>
    %add3A = arith.addf %get3A_3, %get3A_8 : vector<10000x128xf32>
    %get3A_9 = arith.constant 0 : index
    %get3A_10 = arith.constant 0 : index
    %get3A_11 = vector.load %arg2[%get3A_9, %get3A_10] : memref<10000x1xf32, #tpu.memory_space<vmem>>, vector<10000x1xf32>
    %get3A_12 = arith.constant 0 : index
    %get3A_13 = arith.constant 0 : index
    %get3A_14 = vector.load %arg3[%get3A_12, %get3A_13] : memref<10000x128xf32, #tpu.memory_space<vmem>>, vector<10000x128xf32>
    %mul3A = vector.broadcast %get3A_11 : vector<10000x1xf32> to vector<10000x128xf32>
    %mul3A_15 = arith.mulf %mul3A, %get3A_14 : vector<10000x128xf32>
    %add3A_16 = arith.addf %add3A, %mul3A_15 : vector<10000x128xf32>
    %broadcast_in_dim3A = arith.constant 1.000000e+00 : f32
    %broadcast_in_dim3A_17 = vector.broadcast %broadcast_in_dim3A : f32 to vector<32x1xf32>
    %get3A_18 = arith.constant 0 : index
    %get3A_19 = arith.constant 0 : index
    %get3A_20 = vector.load %arg1[%get3A_18, %get3A_19] : memref<10000x32xf32, #tpu.memory_space<vmem>>, vector<10000x32xf32>
    %dot_general3A = arith.constant dense<0.000000e+00> : vector<10000x1xf32>
    %dot_general3A_21 = tpu.matmul %get3A_20, %broadcast_in_dim3A_17, %dot_general3A {dimension_numbers = #tpu.dot_dimension_numbers<[1], [0], [0], [1], [0, 0, 1, 1], [], []>, transpose_lhs_hint = false} : vector<10000x32xf32>, vector<32x1xf32>, vector<10000x1xf32> -> vector<10000x1xf32>
    %get3A_22 = arith.constant 0 : index
    %get3A_23 = arith.constant 0 : index
    %get3A_24 = vector.load %arg2[%get3A_22, %get3A_23] : memref<10000x1xf32, #tpu.memory_space<vmem>>, vector<10000x1xf32>
    %add3A_25 = arith.addf %dot_general3A_21, %get3A_24 : vector<10000x1xf32>
    %add3A_26 = arith.constant 1.000000e-16 : f32
    %add3A_27 = vector.broadcast %add3A_26 : f32 to vector<10000x1xf32>
    %add3A_28 = arith.addf %add3A_25, %add3A_27 : vector<10000x1xf32>
    %div3A = vector.broadcast %add3A_28 : vector<10000x1xf32> to vector<10000x128xf32>
    %div3A_29 = arith.divf %add3A_16, %div3A : vector<10000x128xf32>
    %get3A_30 = arith.constant 0 : index
    %get3A_31 = arith.constant 0 : index
    %get3A_32 = vector.load %arg4[%get3A_30, %get3A_31] : memref<1x128xf32, #tpu.memory_space<vmem>>, vector<1x128xf32>
    %add3A_33 = vector.broadcast %get3A_32 : vector<1x128xf32> to vector<10000x128xf32>
    %add3A_34 = arith.addf %div3A_29, %add3A_33 : vector<10000x128xf32>
    %reduce_sum3A = arith.constant dense<0.000000e+00> : vector<128xf32>
    %reduce_sum3A_35 = vector.multi_reduction <add>, %add3A_34, %reduce_sum3A [0] : vector<10000x128xf32> to vector<128xf32>
    %broadcast_in_dim3A_36 = vector.shape_cast %reduce_sum3A_35 : vector<128xf32> to vector<1x128xf32>
    %div3A_37 = arith.constant 1.000000e+04 : f32
    %div3A_38 = vector.broadcast %div3A_37 : f32 to vector<1x128xf32>
    %div3A_39 = arith.divf %broadcast_in_dim3A_36, %div3A_38 : vector<1x128xf32>
    %mul3A_40 = arith.mulf %add3A_34, %add3A_34 : vector<10000x128xf32>
    %reduce_sum3A_41 = arith.constant dense<0.000000e+00> : vector<128xf32>
    %reduce_sum3A_42 = vector.multi_reduction <add>, %mul3A_40, %reduce_sum3A_41 [0] : vector<10000x128xf32> to vector<128xf32>
    %broadcast_in_dim3A_43 = vector.shape_cast %reduce_sum3A_42 : vector<128xf32> to vector<1x128xf32>
    %div3A_44 = arith.constant 1.000000e+04 : f32
    %div3A_45 = vector.broadcast %div3A_44 : f32 to vector<1x128xf32>
    %div3A_46 = arith.divf %broadcast_in_dim3A_43, %div3A_45 : vector<1x128xf32>
    %mul3A_47 = arith.mulf %div3A_39, %div3A_39 : vector<1x128xf32>
    %sub3A = arith.subf %div3A_46, %mul3A_47 : vector<1x128xf32>
    %add3A_48 = arith.constant 9.99999974E-6 : f32
    %add3A_49 = vector.broadcast %add3A_48 : f32 to vector<1x128xf32>
    %add3A_50 = arith.addf %sub3A, %add3A_49 : vector<1x128xf32>
    %rsqrt3A = math.rsqrt %add3A_50 : vector<1x128xf32>
    %sub3A_51 = vector.broadcast %div3A_39 : vector<1x128xf32> to vector<10000x128xf32>
    %sub3A_52 = arith.subf %add3A_34, %sub3A_51 : vector<10000x128xf32>
    %mul3A_53 = vector.broadcast %rsqrt3A : vector<1x128xf32> to vector<10000x128xf32>
    %mul3A_54 = arith.mulf %sub3A_52, %mul3A_53 : vector<10000x128xf32>
    %get3A_55 = arith.constant 0 : index
    %get3A_56 = arith.constant 0 : index
    %get3A_57 = vector.load %arg5[%get3A_55, %get3A_56] : memref<1x128xf32, #tpu.memory_space<vmem>>, vector<1x128xf32>
    %mul3A_58 = vector.broadcast %get3A_57 : vector<1x128xf32> to vector<10000x128xf32>
    %mul3A_59 = arith.mulf %mul3A_54, %mul3A_58 : vector<10000x128xf32>
    %get3A_60 = arith.constant 0 : index
    %get3A_61 = arith.constant 0 : index
    %get3A_62 = vector.load %arg6[%get3A_60, %get3A_61] : memref<1x128xf32, #tpu.memory_space<vmem>>, vector<1x128xf32>
    %add3A_63 = vector.broadcast %get3A_62 : vector<1x128xf32> to vector<10000x128xf32>
    %add3A_64 = arith.addf %mul3A_59, %add3A_63 : vector<10000x128xf32>
    %max3A = arith.constant 0.000000e+00 : f32
    %max3A_65 = vector.broadcast %max3A : f32 to vector<10000x128xf32>
    %max3A_66 = arith.maximumf %add3A_64, %max3A_65 : vector<10000x128xf32>
    %swap3A = arith.constant 0 : index
    %swap3A_67 = arith.constant 0 : index
    %swap3A_68 = vector.load %arg7[%swap3A, %swap3A_67] : memref<10000x128xf32, #tpu.memory_space<vmem>>, vector<10000x128xf32>
    tpu.vector_store %arg7[%swap3A, %swap3A_67], %max3A_66 {strides = array<i32>} : memref<10000x128xf32, #tpu.memory_space<vmem>>, vector<10000x128xf32>,
    return
  }
}

</mosaic_0001>

<sc_bundles>
// kernel: kernel.5.cloned.1.call-start
scs
__scs_entry_jumppad:
0x0: {  	(pc) =	sbr.rel $0x88, $3  }
0x1: {  	(tag) =	ssettag $0x0;
	lr =	simm.s32 $0x1  }
0x2: {  	[smem:$0x3F96] =	sst lr;
	_ =	strace $0xD0000000  }
0x3: {  	_ = 	snop  }
0x4: {  	_ = 	snop  }
0x5: {  	_ = 	snop  }
0x6: {  	_ = 	snop  }
0x7: {  	_ = 	snop  }
__scs_overlays_trampoline_lowered:
0x8: {  	[smem:$0x3FA5] =	sst s0  }
0x9: {  	[smem:$0x3FA6] =	sst s1  }
0xa: {  	[smem:$0x3FA7] =	sst s2  }
0xb: {  	[smem:$0x3FA8] =	sst s3  }
0xc: {  	[smem:$0x3FA9] =	sst s4  }
0xd: {  	[smem:$0x3FAA] =	sst s5  }
0xe: {  	[smem:$0x3FAB] =	sst s6  }
0xf: {  	[smem:$0x3FAC] =	sst s7  }
0x10: {  	[smem:$0x3FAD] =	sst s8  }
0x11: {  	[smem:$0x3FAE] =	sst s9;
	s0 =	simm.s32 @!p0 $0x0  }
0x12: {  	s1 =	sld [smem:$0x3F94];
	s0 =	simm.s32 @p0 $0x1  }
0x13: {  	[smem:$0x3FAF] =	sst s0;
	s0 =	simm.s32 @!p1 $0x0  }
0x14: {  	s2 =	sld [smem:$0x3F93];
	s0 =	simm.s32 @p1 $0x1  }
0x15: {  	[smem:$0x3FB0] =	sst s0;
	s0 =	simm.s32 @!p2 $0x0  }
0x16: {  	s3 =	sld [smem:$0x3FDB];
	s0 =	simm.s32 @p2 $0x1  }
0x17: {  	s4 =	simm.s32 $0x1BF5;
	[smem:$0x3FB2] =	sst s0  }
0x18: {  	s0 =	sld [smem:$0x3F95];
	_ =	swait.ge [sflag:s4], $0x0  }
0x19: {  	s7 =	sld [smem:$0x3F96]  }
0x1a: {  	s8 =	sadd.s32 $0xFFFFE003, lr  }
0x1b: {  	s9 =	sadd.s32 $0xFFFFFEF7, lr;
	s5 =	simm.s32 $0xFFFFFFFF;
	p2 =	slt.u32 s8, $0xFFFFF086  }
0x1c: {  	p1 =	slt.u32 s9, $0xF7A;
	s5 =	simm.s32 @!p2 $0x0  }
0x1d: {  	s5 =	simm.s32 @p1 $0x1;
	p0 =	seq.s32 s7, s2  }
0x1e: {  	s7 =	smul.u32 @!p0 $0xF7A, s2;
	p2 =	seq.s32 @!p0 s5, $0x0  }
0x1f: {  	s9 =	smul.u32 $0xF7A, s1;
	s8 =	simm.s32 @!p0 $0x1BF5;
	p2 =	por !p2, p0  }
0x20: {  	[sflag:s8] =	ssyncset.s32 @!p0 $0xFFFFF086;
	s6 =	sadd.s32 @!p0 s3, s7;
	s7 =	simm.s32 @!p0 $0x108  }
0x21: {  	s3 =	sadd.s32 s3, s9;
	s6 =	sadd.s32 @!p0 $0x88, s6;
	s7 =	simm.s32 @p2 $0x1082  }
0x22: {  	[simem:s7], [sflag:s8] =	dma.local @!p0 [hbm:s6], $0xF7A  }
0x23: {  	s9 =	sor.u32 $0xD0000000, s2;
	s6 =	simm.s32 $0x108;
	_ =	swait.ge @!p0 [sflag:s8], $0x0  }
0x24: {  	s3 =	sadd.s32 $0x88, s3;
	s6 =	simm.s32 @!p1 $0x1082;
	[sflag:s4] =	ssyncset.s32 $0xFFFFF086  }
0x25: {  	[simem:s6], [sflag:s4] =	dma.local [hbm:s3], $0xF7A  }
0x26: {  	[smem:$0x3F96] =	sst s1;
	(tag) =	ssettag s2;
	_ =	strace s9  }
0x27: {  	s1 =	sld [smem:$0x3FA6]  }
0x28: {  	s2 =	sld [smem:$0x3FA7]  }
0x29: {  	s4 =	sld [smem:$0x3FA9]  }
0x2a: {  	p0 =	seq.s32 s5, $0x0;
	s5 =	sld [smem:$0x3FAA]  }
0x2b: {  	s6 =	sld [smem:$0x3FAB]  }
0x2c: {  	s7 =	sld [smem:$0x3FAC]  }
0x2d: {  	s3 =	simm.s32 $0x108;
	s8 =	sld [smem:$0x3FAD]  }
0x2e: {  	s3 =	simm.s32 @!p0 $0x1082;
	s9 =	sld [smem:$0x3FAE]  }
0x2f: {  	lr =	sadd.s32 s0, s3;
	s0 =	sld [smem:$0x3FA5]  }
0x30: {  	s3 =	sld [smem:$0x3FA8]  }
0x31: {  	[smem:$0x3FB1] =	sst s10  }
0x32: {  	s10 =	sld [smem:$0x3FAF];
	_ =	sdelay $0x3  }
0x33: {  	p0 =	seq.s32 s10, $0x1;
	s10 =	sld [smem:$0x3FB1];
	_ =	sdelay $0x3  }
0x34: {  	[smem:$0x3FB1] =	sst s10  }
0x35: {  	s10 =	sld [smem:$0x3FB0];
	_ =	sdelay $0x3  }
0x36: {  	p1 =	seq.s32 s10, $0x1;
	s10 =	sld [smem:$0x3FB1];
	_ =	sdelay $0x3  }
0x37: {  	[smem:$0x3FB1] =	sst s10  }
0x38: {  	s10 =	sld [smem:$0x3FB2]  }
0x39: {  	_ = 	snop;
	(pc) =	sbr.ind lr, $3  }
0x3a: {  	_ = 	snop  }
0x3b: {  	_ = 	snop  }
0x3c: {  	p2 =	seq.s32 s10, $0x1;
	s10 =	sld [smem:$0x3FB1]  }
0x3d: {  	_ =	shalt  }
0x3e: {  	_ =	shalt  }
0x3f: {  	_ =	shalt  }
0x40: {  	_ =	shalt  }
0x41: {  	_ =	shalt  }
0x42: {  	_ =	shalt  }
0x43: {  	_ =	shalt  }
0x44: {  	_ =	shalt  }
0x45: {  	_ =	shalt  }
0x46: {  	_ =	shalt  }
0x47: {  	_ =	shalt  }
0x48: {  	_ =	shalt  }
0x49: {  	_ =	shalt  }
0x4a: {  	_ =	shalt  }
0x4b: {  	_ =	shalt  }
0x4c: {  	_ =	shalt  }
0x4d: {  	_ =	shalt  }
0x4e: {  	_ =	shalt  }
0x4f: {  	_ =	shalt  }
0x50: {  	_ =	shalt  }
0x51: {  	_ =	shalt  }
0x52: {  	_ =	shalt  }
0x53: {  	_ =	shalt  }
0x54: {  	_ =	shalt  }
0x55: {  	_ =	shalt  }
0x56: {  	_ =	shalt  }
0x57: {  	_ =	shalt  }
0x58: {  	_ =	shalt  }
0x59: {  	_ =	shalt  }
0x5a: {  	_ =	shalt  }
0x5b: {  	_ =	shalt  }
0x5c: {  	_ =	shalt  }
0x5d: {  	_ =	shalt  }
0x5e: {  	_ =	shalt  }
0x5f: {  	_ =	shalt  }
0x60: {  	_ =	shalt  }
0x61: {  	_ =	shalt  }
0x62: {  	_ =	shalt  }
0x63: {  	_ =	shalt  }
0x64: {  	_ =	shalt  }
0x65: {  	_ =	shalt  }
0x66: {  	_ =	shalt  }
0x67: {  	_ =	shalt  }
0x68: {  	_ =	shalt  }
0x69: {  	_ =	shalt  }
0x6a: {  	_ =	shalt  }
0x6b: {  	_ =	shalt  }
0x6c: {  	_ =	shalt  }
0x6d: {  	_ =	shalt  }
0x6e: {  	_ =	shalt  }
0x6f: {  	_ =	shalt  }
0x70: {  	_ =	shalt  }
0x71: {  	_ =	shalt  }
0x72: {  	_ =	shalt  }
0x73: {  	_ =	shalt  }
0x74: {  	_ =	shalt  }
0x75: {  	_ =	shalt  }
0x76: {  	_ =	shalt  }
0x77: {  	_ =	shalt  }
0x78: {  	_ =	shalt  }
0x79: {  	_ =	shalt  }
0x7a: {  	_ =	shalt  }
0x7b: {  	_ =	shalt  }
0x7c: {  	_ =	shalt  }
0x7d: {  	_ =	shalt  }
0x7e: {  	_ =	shalt  }
0x7f: {  	_ =	shalt  }
0x80: {  	_ =	shalt  }
0x81: {  	_ =	shalt  }
0x82: {  	_ =	shalt  }
0x83: {  	_ =	shalt  }
0x84: {  	_ =	shalt  }
0x85: {  	_ =	shalt  }
0x86: {  	_ =	shalt  }
0x87: {  	_ =	shalt  }
.Lfunc_end0:
.L_simem_size_0:
called_computation_lowered:
.L_overlay_start_0:
0x88: {  	s2 =	sld [smem:$0x3FD9]  }
0x89: {  	s3 =	sld [smem:$0x3FFE];
	_ =	sdelay $0x1  }
0x8a: {  	s1 =	srdreg.scid  }
0x8b: {  	s0 =	sand.u32 $0x1, s1  }
0x8c: {  	s16 =	sshll.u32 s0, $0xA;
	s2 =	sadd.s32 s3, s2  }
0x8d: {  	s2 =	sadd.s32 s2, s16  }
0x8e: {  	[smem:$0x3FBD] =	sst s2  }
0x8f: {  	_ = 	snop  }
0x90: {  	(tm) =	ssettm $0x1  }
0x91: {  	s17 =	sld [smem:$0x3FFB];
	_ =	sdelay $0x3  }
0x92: {  	_ =	strace s17  }
0x93: {  	s2 =	sld [smem:$0x3FFC];
	_ =	sdelay $0x3  }
0x94: {  	_ =	strace s2  }
0x95: {  	s2 =	sld [smem:$0x3FFD];
	_ =	sdelay $0x3  }
0x96: {  	_ =	strace s2  }
0x97: {  	_ =	strace $0x8FFFFFFF  }
0x98: {  	s18 =	sld [smem:$0x3FDB];
	_ =	sdelay $0x1  }
0x99: {  	s19 =	simm.s32 $_scs_section_size  }
0x9a: {  	s4 =	simm.s32 $_size__tile_overlayer_lowered;
	s5 =	simm.s32 $_tile_overlayer_lowered  }
0x9b: {  	s22 =	simm.s32 $0x1BFF;
	s21 =	sshll.u32 s5, $0x1;
	s2 =	sadd.s32 s19, s18  }
0x9c: {  	s6 =	simm.s32 $0x0;
	s20 =	sshll.u32 s4, $0x1;
	s4 =	sadd.s32 s21, s2  }
0x9d: {  	[timem:s6], [sflag:s22] =	dma.local [hbm:s4], s20  }
0x9e: {  	_ =	swait.ge [sflag:s22], s20  }
0x9f: {  	s3 =	ssub.s32 $0x0, s20;
	[sflag:s22] =	ssyncset.done $0x0  }
0xa0: {  	[sflag:s22] =	ssyncadd.s32 s3;
	_ =	sdelay $0x1  }
0xa1: {  	s23 =	simm.s32 $0x1B8B  }
0xa2: {  	_ =	swait.ge [sflag:s23], $0x1  }
0xa3: {  	[sflag:s23] =	ssyncset.done $0x0  }
0xa4: {  	s25 =	simm.s32 $0x1B8E;
	s24 =	sld [smem:$0x3FFE];
	[sflag:s23] =	ssyncadd.s32 $0xFFFFFFFF  }
0xa5: {  	s26 =	simm.s32 $execute0_lowered;
	[smem:$0x3FD2] =	sst s25  }
0xa6: {  	s4 =	sshll.u32 s26, $0x1;
	_ =	strace $0x80000046;
	[dreg:$0x1] =	wrdreg $0xFFFFFFFF  }
0xa7: {  	s28 =	simm.s32 $_size_execute0_lowered;
	s2 =	sadd.s32 s2, s4;
	[dreg:$0x0] =	wrdreg $0x0  }
0xa8: {  	s4 =	sshll.u32 s28, $0x1;
	[dreg:$0x2] =	wrdreg s2  }
0xa9: {  	[dreg:$0x3] =	wrdreg s4  }
0xaa: {  	[dreg:$0x4] =	wrdreg $0xC0  }
0xab: {  	_ =	task [dreg:s6], $0x5FFFF  }
0xac: {  	[dreg:$0x1] =	wrdreg $0xFFFFFFFF  }
0xad: {  	[dreg:$0x0] =	wrdreg $0x60  }
0xae: {  	[dreg:$0x2] =	wrdreg s24  }
0xaf: {  	[dreg:$0x3] =	wrdreg $0xBA000  }
0xb0: {  	[dreg:$0x4] =	wrdreg $0x9  }
0xb1: {  	_ =	task.clear_ibuf [dreg:s6], $0x5FFFF;
	_ =	strace $0x90000046  }
0xb2: {  	s29 =	simm.s32 $0x9;
	_ =	strace $0x80000048  }
0xb3: {  	_ =	swait.ge [sflag:s29], $0x1  }
0xb4: {  	[sflag:s29] =	ssyncadd.s32 $0xFFFFFFFF  }
0xb5: {  	_ =	strace $0x90000048  }
0xb6: {  	_ =	sfence  }
0xb7: {  	s30 =	sld [smem:$0x0];
	_ =	sdelay $0x2  }
0xb8: {  	s31 =	sshll.u32 s1, $0xD;
	s1 =	sshrl.u32 s1, $0x2  }
0xb9: {  	s3 =	sand.u32 $0x4000, s31;
	s1 =	sadd.s32 s1, s30  }
0xba: {  	s0 =	sor.u32 s3, s0;
	s1 =	sshll.u32 s1, $0x11  }
0xbb: {  	s0 =	sor.u32 s1, s0  }
0xbc: {  	s0 =	sadd.s32 $0x8F2B, s0  }
0xbd: {  	[sflag:s0] =	ssyncadd.remote.s32 $0x1  }
0xbe: {  	_ =	sfence.sel $0xFFFF  }
0xbf: {  	[dreg:$0x0] =	wrdreg $0xFFFFFFFF;
	(pc) =	sbr.abs _section_cstart, $3  }
0xc0: {  	[dreg:$0x1] =	wrdreg $0xFFFFFFFF  }
0xc1: {  	_ =	task.clear_ibuf [dreg:s6], $0x2FFFF;
	_ =	strace $0x9FFFFFFF  }
0xc2: {  	(tm) =	ssettm $0x7FFFFFFF  }
0xc3: {  	_ =	shalt  }
tec
execute0_lowered:
.L_overlay_start_1:
0x0: {  	(tag) =	ssettag $0x1  }
0x1: {  	s0 =	rddreg [dreg:$0x0]  }
0x2: {  	s1 =	rddreg [dreg:$0x1];
	s2 =	simm.s32 $0x0  }
0x3: {  	s3 =	srdreg.scid;
	s12 =	stileid.u32;
	s29 =	simm.s32 $0x7A00  }
0x4: {  	s30 =	simm.s32 $0x7700;
	s31 =	simm.s32 $0x7800;
	s28 =	simm.s32 $0x4F80  }
0x5: {  	[smem:$0x7FF] =	sst s2;
	s5 =	sand.u32 $0x1, s3;
	s6 =	smul.u32 $0x280, s12  }
0x6: {  	s3 =	sadd.s32 $0xA800, s0;
	s4 =	sadd.s32 $0x800, s0;
	s8 =	sadd.s32 $0x14800, s0  }
0x7: {  	s16 =	sadd.s32 $0x14E00, s0;
	s17 =	sshll.u32 s12, $0x1;
	s19 =	smul.u32 $0x50000, s12  }
0x8: {  	s13 =	smul.u32 $0x4F00, s12;
	_ =	strace $0x80000047;
	[dreg:$0x3] =	wrdreg s8  }
0x9: {  	s9 =	sadd.s32 $0x15400, s0;
	s7 =	smul.u32 $0x2800, s5;
	[dreg:$0x4] =	wrdreg s16  }
0xa: {  	s18 =	sor.u32 s5, s17;
	s10 =	ssub.s32 $0x2, s5;
	s5 =	smul.u32 $0x2780, s5  }
0xb: {  	[dreg:$0x5] =	wrdreg s9;
	s20 =	smul.u32 $0x4E2, s18;
	s8 =	sshrl.u32 s19, $0x2  }
0xc: {  	s21 =	sshrl.u32 s10, $0x1;
	s6 =	sadd.s32 s6, s7;
	s8 =	sadd.s32 s8, s1  }
0xd: {  	s22 =	ssub.s32 s10, s21;
	s7 =	smul.u32 $0x2780, s18;
	s5 =	sadd.s32 s5, s13  }
0xe: {  	s1 =	simm.s32 $0x7780;
	s6 =	sshll.u32 s6, $0x4;
	s9 =	sadd.s32 $0x4000, s8  }
0xf: {  	s10 =	sadd.s32 $0x8000, s8;
	s11 =	sadd.s32 $0xC000, s8;
	s12 =	sadd.s32 $0x10000, s8  }
0x10: {  	s25 =	sor.u32 $0x40, s5;
	s21 =	smax.u32 s22, $0x1;
	s6 =	sadd.s32 s6, s0  }
0x11: {  	s0 =	sadd.s32 s20, s0;
	s7 =	sshrl.u32 s7, $0x3;
	s26 =	sshrl.u32 s25, $0x3  }
0x12: {  	s25 =	simm.s32 $0x3;
	s14 =	sadd.s32 s3, s7;
	s7 =	sadd.s32 s4, s7  }
0x13: {  	s23 =	sadd.s32 $0x15600, s6;
	s24 =	sadd.s32 $0x15E00, s6;
	[dreg:$0x6] =	wrdreg s14  }
0x14: {  	s17 =	sadd.s32 $0x16600, s6;
	s18 =	sadd.s32 $0x16E00, s6;
	[dreg:$0x7] =	wrdreg s7  }
0x15: {  	s19 =	sadd.s32 $0x17600, s6;
	s20 =	sadd.s32 $0x65600, s0;
	[dreg:$0x8] =	wrdreg s23  }
0x16: {  	s0 =	simm.s32 $0x1;
	s6 =	simm.s32 $0x2;
	[dreg:$0x9] =	wrdreg s24  }
0x17: {  	s14 =	sadd.s32 $0x80, s5;
	s23 =	sadd.s32 s26, s4;
	s24 =	sadd.s32 s26, s3  }
0x18: {  	v0 =	vimm.f32 $0.0e+00;
	v1 =	vimm.s32 $0x0;
	s26 =	simm.s32 $0x2780;
	s5 =	simm.s32 $0x7880;
	s7 =	simm.s32 $0x0  }
.LBB2_1:
0x19: {  	s13 =	rddreg [dreg:$0x3]  }
0x1a: {  	[tilespmem:s2], [sflag:$0x3] =	stream.linear.gather [hbm4b:s13+s2], $0x2780, $0x38;
	[tilespmem:$0x1FA00] =	vst v63  }
0x1b: {  	_ =	swait.ge [sflag:s25], $0x2780  }
0x1c: {  	[sflag:s25] =	ssyncset.done $0x0  }
0x1d: {  	s16 =	rddreg [dreg:$0x4];
	[sflag:s25] =	ssyncadd.s32 $0xFFFFD880  }
0x1e: {  	[tilespmem:s26], [sflag:$0x3] =	stream.linear.gather [hbm4b:s16+s2], $0x2780, $0x38;
	[tilespmem:$0x1FA00] =	vst v63  }
0x1f: {  	_ =	swait.ge [sflag:s25], $0x2780  }
0x20: {  	[sflag:s25] =	ssyncset.done $0x0  }
0x21: {  	s15 =	simm.s32 $0x4F00;
	s22 =	rddreg [dreg:$0x5];
	[sflag:s25] =	ssyncadd.s32 $0xFFFFD880  }
0x22: {  	[tilespmem:s15], [sflag:$0x3] =	stream.linear.gather [hbm4b:s22+s2], $0x80, $0x38;
	[tilespmem:$0x1FA00] =	vst v63  }
0x23: {  	_ =	swait.ge [sflag:s25], $0x80  }
0x24: {  	[sflag:s25] =	ssyncset.done $0x0  }
0x25: {  	s13 =	simm.s32 $0x0;
	[sflag:s25] =	ssyncadd.s32 $0xFFFFFF80  }
.LBB2_2:
0x26: {  	p0 =	sne.s32 s13, $0x9C00  }
.Ltmp0:
0x27: {  	_ = 	snop;
	(pc) =	sbr.rel @p0 .LBB2_2-.Ltmp0, $3  }
0x28: {  	_ =	sdelay $0x1  }
0x29: {  	s22 =	sshra.s32 s13, $0x2  }
0x2a: {  	s13 =	sadd.s32 $0x40, s13;
	[tilespmem:s22+$0x4F80] =	vst v0  }
0x2b: {  	s13 =	simm.s32 $0x0;
	s22 =	simm.s32 $0x200  }
.LBB2_4:
0x2c: {  	p0 =	sne.s32 s22, $0x7E00;
	[tilespmem:s13+$0x9A70] =	vst v0  }
0x2d: {  	[tilespmem:s13+$0x7A00] =	vst v0  }
0x2e: {  	[tilespmem:s13+$0x9A00] =	vst v0  }
0x2f: {  	[tilespmem:s13+$0x7A10] =	vst v0  }
0x30: {  	[tilespmem:s13+$0x9A10] =	vst v0  }
0x31: {  	[tilespmem:s13+$0x7A20] =	vst v0  }
0x32: {  	[tilespmem:s13+$0x9A20] =	vst v0  }
0x33: {  	[tilespmem:s13+$0x7A30] =	vst v0  }
0x34: {  	[tilespmem:s13+$0x9A30] =	vst v0  }
0x35: {  	[tilespmem:s13+$0x7A40] =	vst v0  }
0x36: {  	[tilespmem:s13+$0x9A40] =	vst v0  }
.Ltmp1:
0x37: {  	[tilespmem:s13+$0x7A50] =	vst v0;
	(pc) =	sbr.rel @p0 .LBB2_4-.Ltmp1, $4  }
0x38: {  	[tilespmem:s13+$0x9A50] =	vst v0  }
0x39: {  	[tilespmem:s13+$0x7A60] =	vst v0  }
0x3a: {  	[tilespmem:s13+$0x9A60] =	vst v0  }
0x3b: {  	[tilespmem:s13+$0x7A70] =	vst v0;
	s13 =	sshra.s32 s22, $0x2;
	s22 =	sadd.s32 $0x200, s22  }
0x3c: {  	[tilespmem:s13+$0x9A70] =	vst v0  }
0x3d: {  	[tilespmem:s13+$0x7A00] =	vst v0  }
0x3e: {  	[tilespmem:s13+$0x9A00] =	vst v0  }
0x3f: {  	[tilespmem:s13+$0x7A10] =	vst v0  }
0x40: {  	[tilespmem:s13+$0x9A10] =	vst v0  }
0x41: {  	[tilespmem:s13+$0x7A20] =	vst v0  }
0x42: {  	[tilespmem:s13+$0x9A20] =	vst v0  }
0x43: {  	[tilespmem:s13+$0x7A30] =	vst v0  }
0x44: {  	[tilespmem:s13+$0x9A30] =	vst v0  }
0x45: {  	[tilespmem:s13+$0x7A40] =	vst v0  }
0x46: {  	[tilespmem:s13+$0x9A40] =	vst v0  }
0x47: {  	[tilespmem:s13+$0x7A50] =	vst v0  }
0x48: {  	[tilespmem:s13+$0x9A50] =	vst v0  }
0x49: {  	[tilespmem:s13+$0x7A60] =	vst v0  }
0x4a: {  	[tilespmem:s13+$0x9A60] =	vst v0  }
0x4b: {  	[tilespmem:s13+$0x7A70] =	vst v0  }
0x4c: {  	[tilespmem:$0x7880] =	vst v1  }
0x4d: {  	[tilespmem:$0x7890] =	vst v1  }
0x4e: {  	[tilespmem:$0x78A0] =	vst v1  }
0x4f: {  	[tilespmem:$0x78B0] =	vst v1  }
0x50: {  	[spmem:s8] =	stream.linear.scatter [tilespmem:s29], [sflag:$0x3], $0x4000, $0x38;
	[tilespmem:$0x1FA00] =	vst v63  }
0x51: {  	_ =	swait.ge [sflag:s25], $0x4000  }
0x52: {  	[sflag:s25] =	ssyncset.done $0x0  }
0x53: {  	[sflag:s25] =	ssyncadd.s32 $0xFFFFC000  }
0x54: {  	[spmem:s9] =	stream.linear.scatter [tilespmem:s29], [sflag:$0x3], $0x4000, $0x38;
	[tilespmem:$0x1FA00] =	vst v63  }
0x55: {  	_ =	swait.ge [sflag:s25], $0x4000  }
0x56: {  	[sflag:s25] =	ssyncset.done $0x0  }
0x57: {  	[sflag:s25] =	ssyncadd.s32 $0xFFFFC000  }
0x58: {  	[spmem:s10] =	stream.linear.scatter [tilespmem:s29], [sflag:$0x3], $0x4000, $0x38;
	[tilespmem:$0x1FA00] =	vst v63  }
0x59: {  	_ =	swait.ge [sflag:s25], $0x4000  }
0x5a: {  	[sflag:s25] =	ssyncset.done $0x0  }
0x5b: {  	[sflag:s25] =	ssyncadd.s32 $0xFFFFC000  }
0x5c: {  	[spmem:s11] =	stream.linear.scatter [tilespmem:s29], [sflag:$0x3], $0x4000, $0x38;
	[tilespmem:$0x1FA00] =	vst v63  }
0x5d: {  	_ =	swait.ge [sflag:s25], $0x4000  }
0x5e: {  	[sflag:s25] =	ssyncset.done $0x0  }
0x5f: {  	[sflag:s25] =	ssyncadd.s32 $0xFFFFC000  }
0x60: {  	[spmem:s12] =	stream.linear.scatter [tilespmem:s29], [sflag:$0x3], $0x4000, $0x38;
	[tilespmem:$0x1FA00] =	vst v63  }
0x61: {  	_ =	swait.ge [sflag:s25], $0x4000  }
0x62: {  	[sflag:s25] =	ssyncset.done $0x0  }
0x63: {  	[sflag:s25] =	ssyncadd.s32 $0xFFFFC000  }
0x64: {  	[bflag:$0x0] =	sbarrier.arrive $0xFFFF  }
0x65: {  	s13 =	simm.s32 $0x0;
	s15 =	rddreg [dreg:$0x6]  }
0x66: {  	v2 =	vld [tilespmem:$0x4F00];
	[tilespmem:s30], [sflag:$0x1] =	stream.linear.gather [hbm4b:s15+s13], $0x40, $0x38  }
0x67: {  	s22 =	rddreg [dreg:$0x7]  }
0x68: {  	[tilespmem:s31], [sflag:$0x1] =	stream.linear.gather [hbm4b:s22+s13], $0x40, $0x38;
	[tilespmem:$0x1FA00] =	vst v63  }
0x69: {  	_ =	swait.ge [sflag:s0], $0x40  }
0x6a: {  	[sflag:s0] =	ssyncset.done $0x0  }
0x6b: {  	[sflag:s0] =	ssyncadd.s32 $0xFFFFFFC0  }
0x6c: {  	_ =	swait.ge [sflag:s0], $0x40  }
0x6d: {  	[sflag:s0] =	ssyncset.done $0x0  }
0x6e: {  	[sflag:s0] =	ssyncadd.s32 $0xFFFFFFC0  }
0x6f: {  	v3 =	vld [tilespmem:$0x7700]  }
0x70: {  	v4 =	vld [tilespmem:$0x7800];
	_ =	sdelay $0x6  }
0x71: {  	v5 =	vld.idx.msk [tilespmem:v3+s26+$0x0], $0xffff  }
0x72: {  	v6 =	vld.idx.msk [tilespmem:v4+s13+$0x0], $0xffff;
	_ =	sdelay $0x4  }
0x73: {  	v7 =	vadd.f32 v6, v2;
	v5 =	vadd.f32 v6, v5;
	_ =	sdelay $0x1  }
0x74: {  	v48 =	vmul.f32 $2.000000030e-01, v7;
	v8 =	vmul.f32 $2.000000030e-01, v5;
	_ =	sdelay $0x1  }
0x75: {  	v6 =	vmax.f32 v7, v48;
	v5 =	vmax.f32 v5, v8  }
0x76: {  	v5 =	vsub.f32 v5, v6;
	_ =	sdelay $0x1  }
0x77: {  	v5 =	vmul.f32 $1.442695020e+00, v5;
	_ =	sdelay $0x1  }
0x78: {  	(erf) = vpow2.f32 v5;
	_ =	sdelay $0x8  }
0x79: {  	vm0 =	veq.s32 v3, v4;
	v3 =	vpop (erf)  }
0x7a: {  	v3 =	vsel vm0, $0x0, v3  }
0x7b: {  	[tilespmem:$0x7900] =	vst v3  }
0x7c: {  	[tilespmem:v4+s28+$0x0] =	vst.idx.add.f32.msk $0xffff, v3  }
0x7d: {  	v3 =	vld [tilespmem:$0x7710]  }
0x7e: {  	v4 =	vld [tilespmem:$0x7810];
	_ =	sdelay $0x6  }
0x7f: {  	v49 =	vld.idx.msk [tilespmem:v3+s26+$0x0], $0xffff  }
0x80: {  	v50 =	vld.idx.msk [tilespmem:v4+s13+$0x0], $0xffff;
	_ =	sdelay $0x4  }
0x81: {  	v51 =	vadd.f32 v50, v2;
	v5 =	vadd.f32 v50, v49;
	_ =	sdelay $0x1  }
0x82: {  	v52 =	vmul.f32 $2.000000030e-01, v51;
	v53 =	vmul.f32 $2.000000030e-01, v5;
	_ =	sdelay $0x1  }
0x83: {  	v6 =	vmax.f32 v51, v52;
	v5 =	vmax.f32 v5, v53  }
0x84: {  	v5 =	vsub.f32 v5, v6;
	_ =	sdelay $0x1  }
0x85: {  	v5 =	vmul.f32 $1.442695020e+00, v5;
	_ =	sdelay $0x1  }
0x86: {  	(erf) = vpow2.f32 v5;
	_ =	sdelay $0x8  }
0x87: {  	vm13 =	veq.s32 v3, v4;
	v3 =	vpop (erf)  }
0x88: {  	v3 =	vsel vm13, $0x0, v3  }
0x89: {  	[tilespmem:$0x7910] =	vst v3  }
0x8a: {  	[tilespmem:v4+s28+$0x0] =	vst.idx.add.f32.msk $0xffff, v3  }
0x8b: {  	v3 =	vld [tilespmem:$0x7720]  }
0x8c: {  	v4 =	vld [tilespmem:$0x7820];
	_ =	sdelay $0x6  }
0x8d: {  	v54 =	vld.idx.msk [tilespmem:v3+s26+$0x0], $0xffff  }
0x8e: {  	v55 =	vld.idx.msk [tilespmem:v4+s13+$0x0], $0xffff;
	_ =	sdelay $0x4  }
0x8f: {  	v56 =	vadd.f32 v55, v2;
	v5 =	vadd.f32 v55, v54;
	_ =	sdelay $0x1  }
0x90: {  	v57 =	vmul.f32 $2.000000030e-01, v56;
	v58 =	vmul.f32 $2.000000030e-01, v5;
	_ =	sdelay $0x1  }
0x91: {  	v6 =	vmax.f32 v56, v57;
	v5 =	vmax.f32 v5, v58  }
0x92: {  	v5 =	vsub.f32 v5, v6;
	_ =	sdelay $0x1  }
0x93: {  	v5 =	vmul.f32 $1.442695020e+00, v5;
	_ =	sdelay $0x1  }
0x94: {  	(erf) = vpow2.f32 v5;
	_ =	sdelay $0x8  }
0x95: {  	vm14 =	veq.s32 v3, v4;
	v3 =	vpop (erf)  }
0x96: {  	v3 =	vsel vm14, $0x0, v3  }
0x97: {  	[tilespmem:$0x7920] =	vst v3  }
0x98: {  	[tilespmem:v4+s28+$0x0] =	vst.idx.add.f32.msk $0xffff, v3  }
0x99: {  	v3 =	vld [tilespmem:$0x7730]  }
0x9a: {  	v4 =	vld [tilespmem:$0x7830];
	_ =	sdelay $0x6  }
0x9b: {  	v59 =	vld.idx.msk [tilespmem:v3+s26+$0x0], $0xffff  }
0x9c: {  	v60 =	vld.idx.msk [tilespmem:v4+s13+$0x0], $0xffff;
	_ =	sdelay $0x4  }
0x9d: {  	v61 =	vadd.f32 v60, v2;
	v5 =	vadd.f32 v60, v59;
	_ =	sdelay $0x1  }
0x9e: {  	v62 =	vmul.f32 $2.000000030e-01, v61;
	v63 =	vmul.f32 $2.000000030e-01, v5;
	_ =	sdelay $0x1  }
0x9f: {  	v6 =	vmax.f32 v61, v62;
	v5 =	vmax.f32 v5, v63  }
0xa0: {  	v5 =	vsub.f32 v5, v6;
	_ =	sdelay $0x1  }
0xa1: {  	v5 =	vmul.f32 $1.442695020e+00, v5;
	_ =	sdelay $0x1  }
0xa2: {  	(erf) = vpow2.f32 v5;
	_ =	sdelay $0x8  }
0xa3: {  	vm15 =	veq.s32 v3, v4;
	v3 =	vpop (erf)  }
0xa4: {  	v3 =	vsel vm15, $0x0, v3  }
0xa5: {  	[tilespmem:$0x7930] =	vst v3  }
0xa6: {  	s22 =	smov.u32 s14;
	[tilespmem:v4+s28+$0x0] =	vst.idx.add.f32.msk $0xffff, v3  }
.LBB2_6:
0xa7: {  	s15 =	sadd.s32 s13, s24  }
0xa8: {  	[tilespmem:s1], [sflag:$0x2] =	stream.linear.gather [hbm4b:s15+s2], $0x40, $0x38;
	[tilespmem:$0x1FA00] =	vst v63  }
0xa9: {  	s16 =	sadd.s32 s13, s23  }
0xaa: {  	[tilespmem:s5], [sflag:$0x2] =	stream.linear.gather [hbm4b:s16+s2], $0x40, $0x38;
	[tilespmem:$0x1FA00] =	vst v63  }
0xab: {  	_ =	swait.ge [sflag:s6], $0x40  }
0xac: {  	[sflag:s6] =	ssyncset.done $0x0  }
0xad: {  	[sflag:s6] =	ssyncadd.s32 $0xFFFFFFC0  }
0xae: {  	_ =	swait.ge [sflag:s6], $0x40  }
0xaf: {  	[sflag:s6] =	ssyncset.done $0x0  }
0xb0: {  	[sflag:s6] =	ssyncadd.s32 $0xFFFFFFC0  }
0xb1: {  	v3 =	vld [tilespmem:$0x7780]  }
0xb2: {  	v4 =	vld [tilespmem:$0x7880];
	_ =	sdelay $0x6  }
0xb3: {  	v5 =	vld.idx.msk [tilespmem:v3+s26+$0x0], $0xffff  }
0xb4: {  	v6 =	vld.idx.msk [tilespmem:v4+s2+$0x0], $0xffff;
	_ =	sdelay $0x4  }
0xb5: {  	v7 =	vadd.f32 v6, v2;
	v5 =	vadd.f32 v6, v5;
	_ =	sdelay $0x1  }
0xb6: {  	v26 =	vmul.f32 $2.000000030e-01, v7;
	v8 =	vmul.f32 $2.000000030e-01, v5;
	_ =	sdelay $0x1  }
0xb7: {  	v6 =	vmax.f32 v7, v26;
	v5 =	vmax.f32 v5, v8  }
0xb8: {  	v5 =	vsub.f32 v5, v6;
	_ =	sdelay $0x1  }
0xb9: {  	v5 =	vmul.f32 $1.442695020e+00, v5;
	_ =	sdelay $0x1  }
0xba: {  	(erf) = vpow2.f32 v5;
	_ =	sdelay $0x8  }
0xbb: {  	vm0 =	veq.s32 v3, v4;
	v3 =	vpop (erf)  }
0xbc: {  	v3 =	vsel vm0, $0x0, v3  }
0xbd: {  	[tilespmem:$0x7980] =	vst v3  }
0xbe: {  	[tilespmem:v4+s28+$0x0] =	vst.idx.add.f32.msk $0xffff, v3  }
0xbf: {  	v3 =	vld [tilespmem:$0x7790]  }
0xc0: {  	v4 =	vld [tilespmem:$0x7890];
	_ =	sdelay $0x6  }
0xc1: {  	v27 =	vld.idx.msk [tilespmem:v3+s26+$0x0], $0xffff  }
0xc2: {  	v28 =	vld.idx.msk [tilespmem:v4+s2+$0x0], $0xffff;
	_ =	sdelay $0x4  }
0xc3: {  	v29 =	vadd.f32 v28, v2;
	v5 =	vadd.f32 v28, v27;
	_ =	sdelay $0x1  }
0xc4: {  	v30 =	vmul.f32 $2.000000030e-01, v29;
	v31 =	vmul.f32 $2.000000030e-01, v5;
	_ =	sdelay $0x1  }
0xc5: {  	v6 =	vmax.f32 v29, v30;
	v5 =	vmax.f32 v5, v31  }
0xc6: {  	v5 =	vsub.f32 v5, v6;
	_ =	sdelay $0x1  }
0xc7: {  	v5 =	vmul.f32 $1.442695020e+00, v5;
	_ =	sdelay $0x1  }
0xc8: {  	(erf) = vpow2.f32 v5;
	_ =	sdelay $0x8  }
0xc9: {  	vm9 =	veq.s32 v3, v4;
	v3 =	vpop (erf)  }
0xca: {  	v3 =	vsel vm9, $0x0, v3  }
0xcb: {  	[tilespmem:$0x7990] =	vst v3  }
0xcc: {  	[tilespmem:v4+s28+$0x0] =	vst.idx.add.f32.msk $0xffff, v3  }
0xcd: {  	v3 =	vld [tilespmem:$0x77A0]  }
0xce: {  	v4 =	vld [tilespmem:$0x78A0];
	_ =	sdelay $0x6  }
0xcf: {  	v32 =	vld.idx.msk [tilespmem:v3+s26+$0x0], $0xffff  }
0xd0: {  	v33 =	vld.idx.msk [tilespmem:v4+s2+$0x0], $0xffff;
	_ =	sdelay $0x4  }
0xd1: {  	v34 =	vadd.f32 v33, v2;
	v5 =	vadd.f32 v33, v32;
	_ =	sdelay $0x1  }
0xd2: {  	v35 =	vmul.f32 $2.000000030e-01, v34;
	v36 =	vmul.f32 $2.000000030e-01, v5;
	_ =	sdelay $0x1  }
0xd3: {  	v6 =	vmax.f32 v34, v35;
	v5 =	vmax.f32 v5, v36  }
0xd4: {  	v5 =	vsub.f32 v5, v6;
	_ =	sdelay $0x1  }
0xd5: {  	v5 =	vmul.f32 $1.442695020e+00, v5;
	_ =	sdelay $0x1  }
0xd6: {  	(erf) = vpow2.f32 v5;
	_ =	sdelay $0x8  }
0xd7: {  	vm10 =	veq.s32 v3, v4;
	v3 =	vpop (erf)  }
0xd8: {  	v3 =	vsel vm10, $0x0, v3  }
0xd9: {  	[tilespmem:$0x79A0] =	vst v3  }
0xda: {  	[tilespmem:v4+s28+$0x0] =	vst.idx.add.f32.msk $0xffff, v3  }
0xdb: {  	v3 =	vld [tilespmem:$0x77B0]  }
0xdc: {  	v4 =	vld [tilespmem:$0x78B0];
	_ =	sdelay $0x6  }
0xdd: {  	v37 =	vld.idx.msk [tilespmem:v3+s26+$0x0], $0xffff  }
0xde: {  	v38 =	vld.idx.msk [tilespmem:v4+s2+$0x0], $0xffff;
	_ =	sdelay $0x4  }
0xdf: {  	v39 =	vadd.f32 v38, v2;
	v5 =	vadd.f32 v38, v37;
	_ =	sdelay $0x1  }
0xe0: {  	v40 =	vmul.f32 $2.000000030e-01, v39;
	v41 =	vmul.f32 $2.000000030e-01, v5;
	_ =	sdelay $0x1  }
0xe1: {  	v6 =	vmax.f32 v39, v40;
	v5 =	vmax.f32 v5, v41  }
0xe2: {  	v5 =	vsub.f32 v5, v6;
	_ =	sdelay $0x1  }
0xe3: {  	v5 =	vmul.f32 $1.442695020e+00, v5;
	_ =	sdelay $0x1  }
0xe4: {  	(erf) = vpow2.f32 v5;
	_ =	sdelay $0x8  }
0xe5: {  	vm11 =	veq.s32 v3, v4;
	v3 =	vpop (erf)  }
0xe6: {  	v3 =	vsel vm11, $0x0, v3  }
0xe7: {  	s15 =	sshrl.u32 s22, $0x3;
	[tilespmem:$0x79B0] =	vst v3  }
0xe8: {  	s16 =	sadd.s32 s3, s15;
	[tilespmem:v4+s28+$0x0] =	vst.idx.add.f32.msk $0xffff, v3  }
0xe9: {  	[tilespmem:s30], [sflag:$0x1] =	stream.linear.gather [hbm4b:s16+s2], $0x40, $0x38;
	[tilespmem:$0x1FA00] =	vst v63  }
0xea: {  	s15 =	sadd.s32 s4, s15  }
0xeb: {  	[tilespmem:s31], [sflag:$0x1] =	stream.linear.gather [hbm4b:s15+s2], $0x40, $0x38;
	[tilespmem:$0x1FA00] =	vst v63  }
0xec: {  	_ =	swait.ge [sflag:s0], $0x40  }
0xed: {  	[sflag:s0] =	ssyncset.done $0x0  }
0xee: {  	[sflag:s0] =	ssyncadd.s32 $0xFFFFFFC0  }
0xef: {  	_ =	swait.ge [sflag:s0], $0x40  }
0xf0: {  	[sflag:s0] =	ssyncset.done $0x0  }
0xf1: {  	[sflag:s0] =	ssyncadd.s32 $0xFFFFFFC0  }
0xf2: {  	v3 =	vld [tilespmem:$0x7700]  }
0xf3: {  	v42 =	vld [tilespmem:$0x7800];
	_ =	sdelay $0x6  }
0xf4: {  	v43 =	vld.idx.msk [tilespmem:v3+s26+$0x0], $0xffff  }
0xf5: {  	v44 =	vld.idx.msk [tilespmem:v42+s2+$0x0], $0xffff;
	_ =	sdelay $0x4  }
0xf6: {  	v45 =	vadd.f32 v44, v2;
	v5 =	vadd.f32 v44, v43;
	_ =	sdelay $0x1  }
0xf7: {  	v46 =	vmul.f32 $2.000000030e-01, v45;
	v47 =	vmul.f32 $2.000000030e-01, v5;
	_ =	sdelay $0x1  }
0xf8: {  	v6 =	vmax.f32 v45, v46;
	v5 =	vmax.f32 v5, v47  }
0xf9: {  	v5 =	vsub.f32 v5, v6;
	_ =	sdelay $0x1  }
0xfa: {  	v5 =	vmul.f32 $1.442695020e+00, v5;
	_ =	sdelay $0x1  }
0xfb: {  	(erf) = vpow2.f32 v5;
	_ =	sdelay $0x8  }
0xfc: {  	p0 =	seq.s32 s13, $0x4E0;
	s15 =	simm.f32 $0.0e+00;
	vm12 =	veq.s32 v3, v42;
	v3 =	vpop (erf)  }
0xfd: {  	s15 =	simm.s32 @!p0 $0x3F800000;
	v3 =	vsel vm12, $0x0, v3  }
0xfe: {  	v48 =	vmul.f32 s15, v3  }
0xff: {  	[tilespmem:$0x7900] =	vst v3  }
0x100: {  	[tilespmem:v42+s28+$0x0] =	vst.idx.add.f32.msk $0xffff, v48  }
0x101: {  	v3 =	vld [tilespmem:$0x7710]  }
0x102: {  	v4 =	vld [tilespmem:$0x7810];
	_ =	sdelay $0x6  }
0x103: {  	v5 =	vld.idx.msk [tilespmem:v3+s26+$0x0], $0xffff  }
0x104: {  	v49 =	vld.idx.msk [tilespmem:v4+s2+$0x0], $0xffff;
	_ =	sdelay $0x4  }
0x105: {  	v50 =	vadd.f32 v49, v2;
	v5 =	vadd.f32 v49, v5;
	_ =	sdelay $0x1  }
0x106: {  	v51 =	vmul.f32 $2.000000030e-01, v50;
	v52 =	vmul.f32 $2.000000030e-01, v5;
	_ =	sdelay $0x1  }
0x107: {  	v6 =	vmax.f32 v50, v51;
	v5 =	vmax.f32 v5, v52  }
0x108: {  	v5 =	vsub.f32 v5, v6;
	_ =	sdelay $0x1  }
0x109: {  	v5 =	vmul.f32 $1.442695020e+00, v5;
	_ =	sdelay $0x1  }
0x10a: {  	(erf) = vpow2.f32 v5;
	_ =	sdelay $0x8  }
0x10b: {  	vm13 =	veq.s32 v3, v4;
	v3 =	vpop (erf)  }
0x10c: {  	v3 =	vsel vm13, $0x0, v3  }
0x10d: {  	v53 =	vmul.f32 s15, v3  }
0x10e: {  	[tilespmem:$0x7910] =	vst v3  }
0x10f: {  	[tilespmem:v4+s28+$0x0] =	vst.idx.add.f32.msk $0xffff, v53  }
0x110: {  	v3 =	vld [tilespmem:$0x7720]  }
0x111: {  	v4 =	vld [tilespmem:$0x7820];
	_ =	sdelay $0x6  }
0x112: {  	v5 =	vld.idx.msk [tilespmem:v3+s26+$0x0], $0xffff  }
0x113: {  	v54 =	vld.idx.msk [tilespmem:v4+s2+$0x0], $0xffff;
	_ =	sdelay $0x4  }
0x114: {  	v55 =	vadd.f32 v54, v2;
	v5 =	vadd.f32 v54, v5;
	_ =	sdelay $0x1  }
0x115: {  	v56 =	vmul.f32 $2.000000030e-01, v55;
	v57 =	vmul.f32 $2.000000030e-01, v5;
	_ =	sdelay $0x1  }
0x116: {  	v6 =	vmax.f32 v55, v56;
	v5 =	vmax.f32 v5, v57  }
0x117: {  	v5 =	vsub.f32 v5, v6;
	_ =	sdelay $0x1  }
0x118: {  	v5 =	vmul.f32 $1.442695020e+00, v5;
	_ =	sdelay $0x1  }
0x119: {  	(erf) = vpow2.f32 v5;
	_ =	sdelay $0x8  }
0x11a: {  	vm14 =	veq.s32 v3, v4;
	v3 =	vpop (erf)  }
0x11b: {  	v3 =	vsel vm14, $0x0, v3  }
0x11c: {  	v58 =	vmul.f32 s15, v3  }
0x11d: {  	[tilespmem:$0x7920] =	vst v3  }
0x11e: {  	[tilespmem:v4+s28+$0x0] =	vst.idx.add.f32.msk $0xffff, v58  }
0x11f: {  	v3 =	vld [tilespmem:$0x7730]  }
0x120: {  	v4 =	vld [tilespmem:$0x7830];
	_ =	sdelay $0x6  }
0x121: {  	v5 =	vld.idx.msk [tilespmem:v3+s26+$0x0], $0xffff  }
0x122: {  	v59 =	vld.idx.msk [tilespmem:v4+s2+$0x0], $0xffff;
	_ =	sdelay $0x4  }
0x123: {  	v60 =	vadd.f32 v59, v2;
	v5 =	vadd.f32 v59, v5;
	_ =	sdelay $0x1  }
0x124: {  	v61 =	vmul.f32 $2.000000030e-01, v60;
	v62 =	vmul.f32 $2.000000030e-01, v5;
	_ =	sdelay $0x1  }
0x125: {  	v6 =	vmax.f32 v60, v61;
	v5 =	vmax.f32 v5, v62  }
0x126: {  	v5 =	vsub.f32 v5, v6;
	_ =	sdelay $0x1  }
0x127: {  	v5 =	vmul.f32 $1.442695020e+00, v5;
	_ =	sdelay $0x1  }
0x128: {  	(erf) = vpow2.f32 v5;
	_ =	sdelay $0x7  }
0x129: {  	p0 =	sne.s32 s13, $0x4E0  }
.Ltmp2:
0x12a: {  	vm15 =	veq.s32 v3, v4;
	v3 =	vpop (erf);
	(pc) =	sbr.rel @p0 .LBB2_6-.Ltmp2, $4  }
0x12b: {  	v3 =	vsel vm15, $0x0, v3  }
0x12c: {  	v63 =	vmul.f32 s15, v3  }
0x12d: {  	[tilespmem:$0x7930] =	vst v3  }
0x12e: {  	s22 =	sadd.s32 $0x80, s22;
	s13 =	sadd.s32 $0x10, s13;
	[tilespmem:v4+s28+$0x0] =	vst.idx.add.f32.msk $0xffff, v63  }
0x12f: {  	s13 =	stileid.u32  }
0x130: {  	[bflag:$0x0] =	sbarrier.arrive $0xFFFF;
	s13 =	sshll.u32 s13, $0x6  }
0x131: {  	s15 =	sshrl.u32 s8, $0x3;
	s16 =	rddreg [dreg:$0x8];
	s13 =	sor.u32 $0x1C03, s13  }
0x132: {  	[hbm:s16], [sflag:s13] =	dma.local [spmem:s15], $0x800  }
0x133: {  	_ =	swait.ge [sflag:s25], $0x800  }
0x134: {  	[sflag:s25] =	ssyncset.done $0x0  }
0x135: {  	s16 =	sshrl.u32 s9, $0x3;
	s22 =	rddreg [dreg:$0x9];
	[sflag:s25] =	ssyncadd.s32 $0xFFFFF800  }
0x136: {  	[hbm:s22], [sflag:s13] =	dma.local [spmem:s16], $0x800  }
0x137: {  	_ =	swait.ge [sflag:s25], $0x800  }
0x138: {  	[sflag:s25] =	ssyncset.done $0x0  }
0x139: {  	s22 =	sshrl.u32 s10, $0x3;
	[sflag:s25] =	ssyncadd.s32 $0xFFFFF800  }
0x13a: {  	[hbm:s17], [sflag:s13] =	dma.local [spmem:s22], $0x800  }
0x13b: {  	_ =	swait.ge [sflag:s25], $0x800  }
0x13c: {  	[sflag:s25] =	ssyncset.done $0x0  }
0x13d: {  	s16 =	sshrl.u32 s11, $0x3;
	[sflag:s25] =	ssyncadd.s32 $0xFFFFF800  }
0x13e: {  	[hbm:s18], [sflag:s13] =	dma.local [spmem:s16], $0x800  }
0x13f: {  	_ =	swait.ge [sflag:s25], $0x800  }
0x140: {  	[sflag:s25] =	ssyncset.done $0x0  }
0x141: {  	s22 =	sshrl.u32 s12, $0x3;
	[sflag:s25] =	ssyncadd.s32 $0xFFFFF800  }
0x142: {  	[hbm:s19], [sflag:s13] =	dma.local [spmem:s22], $0x800  }
0x143: {  	s7 =	sadd.s32 $0x1, s7;
	_ =	swait.ge [sflag:s25], $0x800  }
0x144: {  	p0 =	sne.s32 s7, s21;
	[sflag:s25] =	ssyncset.done $0x0  }
.Ltmp3:
0x145: {  	[sflag:s25] =	ssyncadd.s32 $0xFFFFF800;
	(pc) =	sbr.rel @p0 .LBB2_1-.Ltmp3, $4  }
0x146: {  	[hbm4b:s20+s2] =	stream.linear.scatter [tilespmem:s28], [sflag:$0x3], $0x2710, $0x38;
	[tilespmem:$0x1FA00] =	vst v63  }
0x147: {  	_ =	swait.ge [sflag:s25], $0x2710  }
0x148: {  	[sflag:s25] =	ssyncset.done $0x0  }
0x149: {  	[sflag:s25] =	ssyncadd.s32 $0xFFFFD8F0  }
0x14a: {  	_ =	sfence.sel $0x180000  }
0x14b: {  	[bflag:$0x0] =	sbarrier.arrive $0xFFFF  }
0x14c: {  	_ =	strace $0x90000047  }
0x14d: {  	s0 =	stileid.u32;
	[bflag:$0x2] =	sbarrier.arrive $0xFFFF  }
0x14e: {  	p0 =	sne.s32 s0, $0x0;
	s0 =	rddreg [dreg:$0x2]  }
0x14f: {  	s0 =	sadd.s32 @!p0 $0x100000, s0  }
0x150: {  	[sflag:s0] =	ssyncadd.tile.s32 @!p0 $0x1;
	_ =	shalt  }
.Lfunc_end2:
_tile_overlayer_lowered:
.L_overlay_start_2:
0x151: {  	(tag) =	ssettag $0x2  }
0x152: {  	s0 =	rddreg [dreg:$0x0];
	s2 =	stileid.u32  }
0x153: {  	s1 =	rddreg [dreg:$0x1];
	p0 =	sne.s32 s2, $0x0  }
0x154: {  	s3 =	rddreg [dreg:$0x2];
	[bflag:$0x3] =	sbarrier.arrive $0xFFFF;
	s2 =	simm.s32 @!p0 $0x1C03  }
0x155: {  	[timem:s3], [sflag:s2] =	dma.local @!p0 [hbm:s0], s1  }
0x156: {  	s0 =	simm.s32 @!p0 $0x3  }
0x157: {  	_ =	swait.ge @!p0 [sflag:s0], s1  }
0x158: {  	s1 =	ssub.s32 @!p0 $0x0, s1;
	[sflag:s0] =	ssyncset.done @!p0 $0x0  }
0x159: {  	[sflag:s0] =	ssyncadd.s32 @!p0 s1  }
0x15a: {  	[bflag:$0x3] =	sbarrier.arrive $0xFFFF  }
0x15b: {  	_ =	shalt  }

</sc_bundles>
